<compile_context>
chip_gen: v7x
topology: tpu7x:2x2x1
jax: 0.10.2.dev20260603
libtpu: 0.0.44.dev20260713+nightly
codegen_flags: <defaults>
</compile_context>

<pallas_src>
import functools

import jax
import jax.numpy as jnp
from jax import lax
from jax.experimental import pallas as pl
from jax.experimental.pallas import tpu as pltpu
from jax.experimental.pallas import tpu_sc as plsc

N = 10000
E = 320000
D = 128
ROWS_PER_BLK = 2000

NC = 2
NS = 16
NW = NC * NS
NPW = 320
NPAD = NW * NPW
CH = 4000
NCH = E // CH
G = 64
MCAP = CH + 2 * G


def _dense_body(x_ref, w_ref, b_ref, o_ref, *, act, out_dtype):
    h = jnp.dot(x_ref[...], w_ref[...], preferred_element_type=jnp.float32)
    h = h + b_ref[...]
    if act == "relu":
        h = jnp.maximum(h, 0.0)
    elif act == "leaky":
        h = jnp.where(h >= 0.0, h, 0.01 * h)
    o_ref[...] = h.astype(out_dtype)


def _dense(x, w, b, act, out_dtype=jnp.float32):
    n, d = x.shape
    dout = w.shape[1]
    grid = (n // ROWS_PER_BLK,)
    return pl.pallas_call(
        functools.partial(_dense_body, act=act, out_dtype=out_dtype),
        grid=grid,
        in_specs=[
            pl.BlockSpec((ROWS_PER_BLK, d), lambda i: (i, 0)),
            pl.BlockSpec((d, dout), lambda i: (0, 0)),
            pl.BlockSpec((dout,), lambda i: (0,)),
        ],
        out_specs=pl.BlockSpec((ROWS_PER_BLK, dout), lambda i: (i, 0)),
        out_shape=jax.ShapeDtypeStruct((n, dout), out_dtype),
    )(x, w, b)


def _sage_tail_body(x_ref, ws_ref, bs_ref, agg_ref, wn_ref, o_ref):
    h = jnp.dot(x_ref[...], ws_ref[...], preferred_element_type=jnp.float32)
    h = h + bs_ref[...]
    h = h + jnp.dot(agg_ref[...], wn_ref[...], preferred_element_type=jnp.float32)
    o_ref[...] = jnp.where(h >= 0.0, h, 0.01 * h)


def _sage_tail(x, ws, bs, agg, wn):
    n, d = x.shape
    dout = wn.shape[1]
    grid = (n // ROWS_PER_BLK,)
    return pl.pallas_call(
        _sage_tail_body,
        grid=grid,
        in_specs=[
            pl.BlockSpec((ROWS_PER_BLK, d), lambda i: (i, 0)),
            pl.BlockSpec((d, dout), lambda i: (0, 0)),
            pl.BlockSpec((dout,), lambda i: (0,)),
            pl.BlockSpec((ROWS_PER_BLK, d), lambda i: (i, 0)),
            pl.BlockSpec((d, dout), lambda i: (0, 0)),
        ],
        out_specs=pl.BlockSpec((ROWS_PER_BLK, dout), lambda i: (i, 0)),
        out_shape=jax.ShapeDtypeStruct((n, dout), jnp.float32),
    )(x, ws, bs, agg, wn)


def _head_body(x_ref, w3_ref, b3_ref, w4_ref, b4_ref, o_ref):
    h = jnp.dot(x_ref[...], w3_ref[...], preferred_element_type=jnp.float32)
    h = h + b3_ref[...]
    h = jnp.where(h >= 0.0, h, 0.01 * h)
    h = jnp.dot(h, w4_ref[...], preferred_element_type=jnp.float32)
    h = h + b4_ref[...]
    o_ref[...] = jax.nn.sigmoid(h)


def _head(x, w3, b3, w4, b4):
    n, d = x.shape
    c = w4.shape[1]
    grid = (n // ROWS_PER_BLK,)
    return pl.pallas_call(
        _head_body,
        grid=grid,
        in_specs=[
            pl.BlockSpec((ROWS_PER_BLK, d), lambda i: (i, 0)),
            pl.BlockSpec((d, d), lambda i: (0, 0)),
            pl.BlockSpec((d,), lambda i: (0,)),
            pl.BlockSpec((d, c), lambda i: (0, 0)),
            pl.BlockSpec((c,), lambda i: (0,)),
        ],
        out_specs=pl.BlockSpec((ROWS_PER_BLK, c), lambda i: (i, 0)),
        out_shape=jax.ShapeDtypeStruct((n, c), jnp.float32),
    )(x, w3, b3, w4, b4)


def _segmax_body(hpool_hbm, epk_hbm, out_hbm,
                 ekb, msrc, mldst, rows, acc, hshr, gsem):
    cid = lax.axis_index("c")
    sid = lax.axis_index("s")
    wid = sid * NC + cid
    lo = wid * NPW

    @pl.when(sid < 15)
    def _():
        base = pl.multiple_of(sid * 624, 16)
        pltpu.sync_copy(hpool_hbm.at[pl.ds(base, 624)],
                        hshr.at[pl.ds(base, 624)])

    @pl.when(sid == 15)
    def _():
        pltpu.sync_copy(hpool_hbm.at[pl.ds(9360, 640)],
                        hshr.at[pl.ds(9360, 640)])



    zf = jnp.zeros((32,), jnp.bfloat16)

    def zero_body(i, _):
        for k in range(D // 32):
            acc[i, pl.ds(k * 32, 32)] = zf
        return 0

    lax.fori_loop(0, NPW, zero_body, 0)
    plsc.subcore_barrier()

    zi = jnp.zeros((16,), jnp.int32)

    def chunk_body(c, _):
        base_e = pl.multiple_of(c * CH, 8)
        pltpu.sync_copy(epk_hbm.at[pl.ds(base_e, CH)], ekb)

        def scan_body(i, cntv):
            pk = ekb[pl.ds(i * 16, 16)]
            v = lax.bitwise_and(pk, 16383)
            sv = lax.shift_right_logical(pk, 14)
            m = (v >= lo) & (v < lo + NPW)
            pc = plsc.cumsum(m.astype(jnp.int32))
            pos = cntv + pc - 1
            plsc.store_scatter(msrc, [pos], sv * 512 + (v - lo), mask=m)
            return cntv + plsc.all_reduce_population_count(m)

        cntv = lax.fori_loop(0, CH // 16, scan_body,
                             jnp.zeros((16,), jnp.int32))
        cnt = cntv[0]

        for t in range(G // 16):
            msrc[pl.ds(cnt + t * 16, 16)] = zi

        ng = (cnt + (G - 1)) // G

        def dec_body(i, _):
            p = msrc[pl.ds(i * 16, 16)]
            msrc[pl.ds(i * 16, 16)] = lax.shift_right_logical(p, 9)
            mldst[pl.ds(i * 16, 16)] = lax.bitwise_and(p, 511)
            return 0

        lax.fori_loop(0, ng * (G // 16), dec_body, 0)

        def group_body(g, _):
            pltpu.async_copy(
                hshr.at[msrc.at[pl.ds(g * G, G)]], rows, gsem).wait()
            nb = jnp.minimum(cnt - g * G, G)

            def edge_body(j, _):
                ld = mldst[pl.ds(g * G + j, 16)][0]
                for k in range(D // 32):
                    r = plsc.bitcast(rows[j, pl.ds(k * 16, 16)],
                                     jnp.bfloat16)
                    sl = pl.ds(k * 32, 32)
                    acc[ld, sl] = jnp.maximum(acc[ld, sl], r)
                return 0

            lax.fori_loop(0, nb, edge_body, 0)
            return 0

        lax.fori_loop(0, ng, group_body, 0)
        return 0

    lax.fori_loop(0, NCH, chunk_body, 0)

    pltpu.sync_copy(acc, out_hbm.at[pl.ds(lo, NPW)])


def _segmax(hpool, epk):
    mesh = plsc.VectorSubcoreMesh(
        core_axis_name="c", subcore_axis_name="s",
        num_cores=NC, num_subcores=NS)
    agg_call = pl.kernel(
        _segmax_body,
        out_type=jax.ShapeDtypeStruct((NPAD, D), jnp.bfloat16),
        mesh=mesh,
        compiler_params=pltpu.CompilerParams(needs_layout_passes=False),
        scratch_types=[
            pltpu.VMEM((CH,), jnp.int32),
            pltpu.VMEM((MCAP,), jnp.int32),
            pltpu.VMEM((MCAP,), jnp.int32),
            pltpu.VMEM((G, D // 2), jnp.int32),
            pltpu.VMEM((NPW, D), jnp.bfloat16),
            pltpu.VMEM_SHARED((N, D // 2), jnp.int32),
            pltpu.SemaphoreType.DMA,
        ],
    )
    hp_i32 = jax.lax.bitcast_convert_type(
        hpool.reshape(N, D // 2, 2), jnp.int32)
    agg = agg_call(hp_i32, epk)
    return agg[:N].astype(jnp.float32)


def kernel(x, Wp1, bp1, Wn1, Ws1, bs1, Wp2, bp2, Wn2, Ws2, bs2, W3, b3, W4, b4, edge_index):
    src = edge_index[0]
    dst = edge_index[1]
    epk = src * 16384 + dst
    hp1 = _dense(x, Wp1, bp1, "relu", out_dtype=jnp.bfloat16)
    agg1 = _segmax(hp1, epk)
    h1 = _sage_tail(x, Ws1, bs1, agg1, Wn1)
    hp2 = _dense(h1, Wp2, bp2, "relu", out_dtype=jnp.bfloat16)
    agg2 = _segmax(hp2, epk)
    h2 = _sage_tail(h1, Ws2, bs2, agg2, Wn2)
    return _head(h2, W3, b3, W4, b4)

# --- scband reference (transcript-rebuilt; emitter-appended) ---
"""Pipeline reference for scband-gnn22-46093589020764 (READ-ONLY COPY).

The authoritative reference and input builder live on the scoring server;
editing this copy changes nothing except your own understanding.
"""

import jax, jax.numpy as jnp
import numpy as np

N = 10000
E = 320000
D = 128
H1 = 128
H2 = 128
H3 = 128
C = 16


def setup_inputs(seed: int = 0) -> dict:
    key = jax.random.key(seed)
    ks = jax.random.split(key, 20)
    def p(k, shape, scale=0.05):
        return jax.random.normal(k, shape, dtype=jnp.float32) * scale
    return {
        "x": jax.random.normal(ks[0], (N, D), dtype=jnp.float32),
        "Wp1": p(ks[1], (D, D)), "bp1": jnp.zeros((D,), jnp.float32),
        "Wn1": p(ks[2], (D, H1)), "Ws1": p(ks[3], (D, H1)), "bs1": jnp.zeros((H1,), jnp.float32),
        "Wp2": p(ks[4], (H1, H1)), "bp2": jnp.zeros((H1,), jnp.float32),
        "Wn2": p(ks[5], (H1, H2)), "Ws2": p(ks[6], (H1, H2)), "bs2": jnp.zeros((H2,), jnp.float32),
        "W3": p(ks[7], (H2, H3)), "b3": jnp.zeros((H3,), jnp.float32),
        "W4": p(ks[8], (H3, C)), "b4": jnp.zeros((C,), jnp.float32),
        "edge_index": jax.random.randint(ks[9], (2, E), 0, N, dtype=jnp.int32),
    }


def _sage_pool(x, W_pool, b_pool, W_neigh, W_self, b_self, src, dst):
    # DGL SAGEConv with 'pool' aggregator:
    # msg = relu(fc_pool(x_src)); h_neigh = max over in-edges; out = fc_self(x) + fc_neigh(h_neigh)
    h_pool = jax.nn.relu(x @ W_pool + b_pool)
    msg = jnp.take(h_pool, src, axis=0)
    agg = jax.ops.segment_max(msg, dst, num_segments=N)
    agg = jnp.where(jnp.isfinite(agg), agg, 0.0)  # isolated nodes -> 0
    return (x @ W_self + b_self) + agg @ W_neigh


def reference(x, Wp1, bp1, Wn1, Ws1, bs1, Wp2, bp2, Wn2, Ws2, bs2, W3, b3, W4, b4, edge_index):
    src = edge_index[0]
    dst = edge_index[1]
    h = _sage_pool(x, Wp1, bp1, Wn1, Ws1, bs1, src, dst)
    h = jax.nn.leaky_relu(h, negative_slope=0.01)
    h = _sage_pool(h, Wp2, bp2, Wn2, Ws2, bs2, src, dst)
    h = jax.nn.leaky_relu(h, negative_slope=0.01)
    h = h @ W3 + b3
    h = jax.nn.leaky_relu(h, negative_slope=0.01)
    h = h @ W4 + b4
    return jax.nn.sigmoid(h)

if __name__ == "__main__":
    import jax
    _d = setup_inputs()
    print(jax.jit(kernel)(*tuple(_d.values())))

</pallas_src>

<mosaic_0001>
#map = affine_map<(d0, d1) -> (0, 0)>
#map1 = affine_map<(d0, d1) -> (0)>
module attributes {stable_mosaic.version = 14 : i64} {
  func.func @_segmax_body(%arg0: i32, %arg1: i32, %arg2: memref<10000x64xi32, #tpu.memory_space<hbm>>, %arg3: memref<320000xi32, #tpu.memory_space<hbm>>, %arg4: memref<10240x128xbf16, #tpu.memory_space<hbm>>, %arg5: memref<4000xi32, #tpu.memory_space<vmem>>, %arg6: memref<4128xi32, #tpu.memory_space<vmem>>, %arg7: memref<4128xi32, #tpu.memory_space<vmem>>, %arg8: memref<64x64xi32, #tpu.memory_space<vmem>>, %arg9: memref<320x128xbf16, #tpu.memory_space<vmem>>, %arg10: memref<10000x64xi32, #tpu.memory_space<vmem_shared>>, %arg11: memref<!tpu.dma_semaphore, #tpu.memory_space<semaphore_mem>>) attributes {dimension_semantics = [#tpu.dimension_semantics<core_parallel>, #tpu.dimension_semantics<subcore_parallel>], iteration_bounds = array<i64: 2, 16>, scalar_prefetch = 0 : i64, scratch_operands = 7 : i64, tpu.core_type = #tpu.core_type<sc_vector_subcore>, window_params = [{transform_indices = #map}, {transform_indices = #map1}, {transform_indices = #map}]} {
    %mul3A = arith.constant 2 : i32
    %mul3A_0 = arith.muli %arg1, %mul3A : i32
    %add3A = arith.addi %mul3A_0, %arg0 : i32
    %mul3A_1 = arith.constant 320 : i32
    %mul3A_2 = arith.muli %add3A, %mul3A_1 : i32
    %lt3A = arith.constant 15 : i32
    %lt3A_3 = arith.cmpi slt, %arg1, %lt3A : i32
    %convert_element_type3A = arith.extui %lt3A_3 : i1 to i32
    %cond3A = arith.constant 0 : i32
    %cond3A_4 = arith.cmpi ne, %convert_element_type3A, %cond3A : i32
    scf.if %cond3A_4 {
      %mul3A_25 = arith.constant 624 : i32
      %mul3A_26 = arith.muli %arg1, %mul3A_25 : i32
      %multiple_of3A = tpu.assume_multiple %mul3A_26, 16 : i32
      "tpu.region"() ({
        %run_scoped3A = tpu.sem_alloc : memref<!tpu.dma_semaphore, #tpu.memory_space<semaphore_mem>>
        %dma_start3A = arith.constant 0 : i32
        %dma_start3A_27 = tpu.memref_slice %arg10[%multiple_of3A, %dma_start3A] : memref<10000x64xi32, #tpu.memory_space<vmem_shared>> -> memref<624x64xi32, #tpu.memory_space<vmem_shared>>
        %dma_start3A_28 = arith.constant 0 : i32
        %dma_start3A_29 = tpu.memref_slice %arg2[%multiple_of3A, %dma_start3A_28] : memref<10000x64xi32, #tpu.memory_space<hbm>> -> memref<624x64xi32, #tpu.memory_space<hbm>>
        tpu.enqueue_dma source(%dma_start3A_29 : memref<624x64xi32, #tpu.memory_space<hbm>>) target(%dma_start3A_27 : memref<624x64xi32, #tpu.memory_space<vmem_shared>>) target_semaphore(%run_scoped3A : memref<!tpu.dma_semaphore, #tpu.memory_space<semaphore_mem>>)
        %dma_wait3A = arith.constant 0 : i32
        %dma_wait3A_30 = tpu.memref_slice %arg10[%multiple_of3A, %dma_wait3A] : memref<10000x64xi32, #tpu.memory_space<vmem_shared>> -> memref<624x64xi32, #tpu.memory_space<vmem_shared>>
        %dma_wait3A_31 = arith.constant 0 : i32
        %dma_wait3A_32 = tpu.memref_slice %arg2[%multiple_of3A, %dma_wait3A_31] : memref<10000x64xi32, #tpu.memory_space<hbm>> -> memref<624x64xi32, #tpu.memory_space<hbm>>
        tpu.wait_dma2 semaphore(%run_scoped3A : memref<!tpu.dma_semaphore, #tpu.memory_space<semaphore_mem>>) src(%dma_wait3A_32 : memref<624x64xi32, #tpu.memory_space<hbm>>) dst(%dma_wait3A_30 : memref<624x64xi32, #tpu.memory_space<vmem_shared>>)
        tpu.yield
      }) : () -> ()
    } else {
    }
    %eq3A = arith.constant 15 : i32
    %eq3A_5 = arith.cmpi eq, %arg1, %eq3A : i32
    %convert_element_type3A_6 = arith.extui %eq3A_5 : i1 to i32
    %cond3A_7 = arith.constant 0 : i32
    %cond3A_8 = arith.cmpi ne, %convert_element_type3A_6, %cond3A_7 : i32
    scf.if %cond3A_8 {
      "tpu.region"() ({
        %run_scoped3A = tpu.sem_alloc : memref<!tpu.dma_semaphore, #tpu.memory_space<semaphore_mem>>
        %dma_start3A = arith.constant 9360 : i32
        %dma_start3A_25 = arith.constant 0 : i32
        %dma_start3A_26 = tpu.memref_slice %arg10[%dma_start3A, %dma_start3A_25] : memref<10000x64xi32, #tpu.memory_space<vmem_shared>> -> memref<640x64xi32, #tpu.memory_space<vmem_shared>>
        %dma_start3A_27 = arith.constant 9360 : i32
        %dma_start3A_28 = arith.constant 0 : i32
        %dma_start3A_29 = tpu.memref_slice %arg2[%dma_start3A_27, %dma_start3A_28] : memref<10000x64xi32, #tpu.memory_space<hbm>> -> memref<640x64xi32, #tpu.memory_space<hbm>>
        tpu.enqueue_dma source(%dma_start3A_29 : memref<640x64xi32, #tpu.memory_space<hbm>>) target(%dma_start3A_26 : memref<640x64xi32, #tpu.memory_space<vmem_shared>>) target_semaphore(%run_scoped3A : memref<!tpu.dma_semaphore, #tpu.memory_space<semaphore_mem>>)
        %dma_wait3A = arith.constant 9360 : i32
        %dma_wait3A_30 = arith.constant 0 : i32
        %dma_wait3A_31 = tpu.memref_slice %arg10[%dma_wait3A, %dma_wait3A_30] : memref<10000x64xi32, #tpu.memory_space<vmem_shared>> -> memref<640x64xi32, #tpu.memory_space<vmem_shared>>
        %dma_wait3A_32 = arith.constant 9360 : i32
        %dma_wait3A_33 = arith.constant 0 : i32
        %dma_wait3A_34 = tpu.memref_slice %arg2[%dma_wait3A_32, %dma_wait3A_33] : memref<10000x64xi32, #tpu.memory_space<hbm>> -> memref<640x64xi32, #tpu.memory_space<hbm>>
        tpu.wait_dma2 semaphore(%run_scoped3A : memref<!tpu.dma_semaphore, #tpu.memory_space<semaphore_mem>>) src(%dma_wait3A_34 : memref<640x64xi32, #tpu.memory_space<hbm>>) dst(%dma_wait3A_31 : memref<640x64xi32, #tpu.memory_space<vmem_shared>>)
        tpu.yield
      }) : () -> ()
    } else {
    }
    %broadcast_in_dim3A = arith.constant 0.000000e+00 : bf16
    %broadcast_in_dim3A_9 = vector.broadcast %broadcast_in_dim3A : bf16 to vector<32xbf16>
    %scan3A = arith.constant 0 : i32
    %scan3A_10 = arith.constant 0 : i32
    %scan3A_11 = arith.constant 320 : i32
    %scan3A_12 = arith.addi %scan3A_10, %scan3A_11 : i32
    %scan3A_13 = arith.constant 1 : i32
    %scan3A_14 = scf.for %scan3A_25 = %scan3A_10 to %scan3A_12 step %scan3A_13 iter_args(%scan3A_26 = %scan3A) -> (i32)  : i32 {
      %swap3A = arith.index_cast %scan3A_25 : i32 to index
      %swap3A_27 = arith.constant 0 : index
      %swap3A_28 = tpu.vector_load %arg9[%swap3A, %swap3A_27] {strides = array<i32>} : memref<320x128xbf16, #tpu.memory_space<vmem>>, vector<32xbf16>,
      tpu.vector_store %arg9[%swap3A, %swap3A_27], %broadcast_in_dim3A_9 {strides = array<i32>} : memref<320x128xbf16, #tpu.memory_space<vmem>>, vector<32xbf16>,
      %swap3A_29 = arith.index_cast %scan3A_25 : i32 to index
      %swap3A_30 = arith.constant 32 : index
      %swap3A_31 = tpu.vector_load %arg9[%swap3A_29, %swap3A_30] {strides = array<i32>} : memref<320x128xbf16, #tpu.memory_space<vmem>>, vector<32xbf16>,
      tpu.vector_store %arg9[%swap3A_29, %swap3A_30], %broadcast_in_dim3A_9 {strides = array<i32>} : memref<320x128xbf16, #tpu.memory_space<vmem>>, vector<32xbf16>,
      %swap3A_32 = arith.index_cast %scan3A_25 : i32 to index
      %swap3A_33 = arith.constant 64 : index
      %swap3A_34 = tpu.vector_load %arg9[%swap3A_32, %swap3A_33] {strides = array<i32>} : memref<320x128xbf16, #tpu.memory_space<vmem>>, vector<32xbf16>,
      tpu.vector_store %arg9[%swap3A_32, %swap3A_33], %broadcast_in_dim3A_9 {strides = array<i32>} : memref<320x128xbf16, #tpu.memory_space<vmem>>, vector<32xbf16>,
      %swap3A_35 = arith.index_cast %scan3A_25 : i32 to index
      %swap3A_36 = arith.constant 96 : index
      %swap3A_37 = tpu.vector_load %arg9[%swap3A_35, %swap3A_36] {strides = array<i32>} : memref<320x128xbf16, #tpu.memory_space<vmem>>, vector<32xbf16>,
      tpu.vector_store %arg9[%swap3A_35, %swap3A_36], %broadcast_in_dim3A_9 {strides = array<i32>} : memref<320x128xbf16, #tpu.memory_space<vmem>>, vector<32xbf16>,
      %scan3A_38 = arith.constant 0 : i32
      scf.yield %scan3A_38 : i32
    }
    %scan3A_15 = arith.constant 320 : i32
    %barrier3A = arith.constant 0 : index
    tpu.barrier barrier_id(%barrier3A)
    %broadcast_in_dim3A_16 = arith.constant 0 : i32
    %broadcast_in_dim3A_17 = vector.broadcast %broadcast_in_dim3A_16 : i32 to vector<16xi32>
    %scan3A_18 = arith.constant 0 : i32
    %scan3A_19 = arith.constant 0 : i32
    %scan3A_20 = arith.constant 80 : i32
    %scan3A_21 = arith.addi %scan3A_19, %scan3A_20 : i32
    %scan3A_22 = arith.constant 1 : i32
    %scan3A_23 = scf.for %scan3A_25 = %scan3A_19 to %scan3A_21 step %scan3A_22 iter_args(%scan3A_26 = %scan3A_18) -> (i32)  : i32 {
      %mul3A_27 = arith.constant 4000 : i32
      %mul3A_28 = arith.muli %scan3A_25, %mul3A_27 : i32
      %multiple_of3A = tpu.assume_multiple %mul3A_28, 8 : i32
      "tpu.region"() ({
        %run_scoped3A = tpu.sem_alloc : memref<!tpu.dma_semaphore, #tpu.memory_space<semaphore_mem>>
        %dma_start3A = tpu.memref_slice %arg3[%multiple_of3A] : memref<320000xi32, #tpu.memory_space<hbm>> -> memref<4000xi32, #tpu.memory_space<hbm>>
        %dma_start3A_96 = tpu.memref_slice %arg3[%multiple_of3A] : memref<320000xi32, #tpu.memory_space<hbm>> -> memref<4000xi32, #tpu.memory_space<hbm>>
        tpu.enqueue_dma source(%dma_start3A_96 : memref<4000xi32, #tpu.memory_space<hbm>>) target(%arg5 : memref<4000xi32, #tpu.memory_space<vmem>>) target_semaphore(%run_scoped3A : memref<!tpu.dma_semaphore, #tpu.memory_space<semaphore_mem>>)
        %dma_wait3A = tpu.memref_slice %arg3[%multiple_of3A] : memref<320000xi32, #tpu.memory_space<hbm>> -> memref<4000xi32, #tpu.memory_space<hbm>>
        %dma_wait3A_97 = tpu.memref_slice %arg3[%multiple_of3A] : memref<320000xi32, #tpu.memory_space<hbm>> -> memref<4000xi32, #tpu.memory_space<hbm>>
        tpu.wait_dma2 semaphore(%run_scoped3A : memref<!tpu.dma_semaphore, #tpu.memory_space<semaphore_mem>>) src(%dma_wait3A_97 : memref<4000xi32, #tpu.memory_space<hbm>>) dst(%arg5 : memref<4000xi32, #tpu.memory_space<vmem>>)
        tpu.yield
      }) : () -> ()
      %broadcast_in_dim3A_29 = arith.constant 0 : i32
      %broadcast_in_dim3A_30 = vector.broadcast %broadcast_in_dim3A_29 : i32 to vector<16xi32>
      %scan3A_31 = arith.constant 0 : i32
      %scan3A_32 = arith.constant 250 : i32
      %scan3A_33 = arith.addi %scan3A_31, %scan3A_32 : i32
      %scan3A_34 = arith.constant 1 : i32
      %scan3A_35 = scf.for %scan3A_96 = %scan3A_31 to %scan3A_33 step %scan3A_34 iter_args(%scan3A_97 = %broadcast_in_dim3A_30) -> (vector<16xi32>)  : i32 {
        %mul3A_98 = arith.constant 16 : i32
        %mul3A_99 = arith.muli %scan3A_96, %mul3A_98 : i32
        %get3A = arith.index_cast %mul3A_99 : i32 to index
        %get3A_100 = tpu.vector_load %arg5[%get3A] {strides = array<i32>} : memref<4000xi32, #tpu.memory_space<vmem>>, vector<16xi32>,
        %and3A_101 = arith.constant 16383 : i32
        %and3A_102 = vector.broadcast %and3A_101 : i32 to vector<16xi32>
        %and3A_103 = arith.andi %get3A_100, %and3A_102 : vector<16xi32>
        %shift_right_logical3A = arith.constant 14 : i32
        %shift_right_logical3A_104 = vector.broadcast %shift_right_logical3A : i32 to vector<16xi32>
        %shift_right_logical3A_105 = arith.shrui %get3A_100, %shift_right_logical3A_104 : vector<16xi32>
        %ge3A = vector.broadcast %mul3A_2 : i32 to vector<16xi32>
        %ge3A_106 = arith.cmpi sge, %and3A_103, %ge3A : vector<16xi32>
        %add3A_107 = arith.constant 320 : i32
        %add3A_108 = arith.addi %mul3A_2, %add3A_107 : i32
        %lt3A_109 = vector.broadcast %add3A_108 : i32 to vector<16xi32>
        %lt3A_110 = arith.cmpi slt, %and3A_103, %lt3A_109 : vector<16xi32>
        %and3A_111 = arith.andi %ge3A_106, %lt3A_110 : vector<16xi1>
        %convert_element_type3A_112 = arith.extui %and3A_111 : vector<16xi1> to vector<16xi32>
        %broadcast_in_dim3A_113 = arith.constant true
        %broadcast_in_dim3A_114 = vector.broadcast %broadcast_in_dim3A_113 : i1 to vector<16xi1>
        %masked_cumsum3A = tpu.scan <sum>, %convert_element_type3A_112 masked %broadcast_in_dim3A_114 : vector<16xi32>, vector<16xi1> -> vector<16xi32>
        %add3A_115 = arith.addi %scan3A_97, %masked_cumsum3A : vector<16xi32>
        %sub3A_116 = arith.constant 1 : i32
        %sub3A_117 = vector.broadcast %sub3A_116 : i32 to vector<16xi32>
        %sub3A_118 = arith.subi %add3A_115, %sub3A_117 : vector<16xi32>
        %mul3A_119 = arith.constant 512 : i32
        %mul3A_120 = vector.broadcast %mul3A_119 : i32 to vector<16xi32>
        %mul3A_121 = arith.muli %shift_right_logical3A_105, %mul3A_120 : vector<16xi32>
        %sub3A_122 = vector.broadcast %mul3A_2 : i32 to vector<16xi32>
        %sub3A_123 = arith.subi %and3A_103, %sub3A_122 : vector<16xi32>
        %add3A_124 = arith.addi %mul3A_121, %sub3A_123 : vector<16xi32>
        tpu.vector_store_idx %arg6[%sub3A_118], %add3A_124 masked %and3A_111 : memref<4128xi32, #tpu.memory_space<vmem>>[vector<16xi32>], vector<16xi32>, vector<16xi1>
        %all_reduce_population_count3A = tpu.all_reduce %and3A_111 {dim = 0 : i64, kind = #tpu.reduction_kind<sum>} : vector<16xi1> -> vector<16xi32>
        %add3A_125 = arith.addi %scan3A_97, %all_reduce_population_count3A : vector<16xi32>
        scf.yield %add3A_125 : vector<16xi32>
      }
      %scan3A_36 = arith.constant 250 : i32
      %slice3A = vector.extract_strided_slice %scan3A_35 {offsets = [0], sizes = [1], strides = [1]} : vector<16xi32> to vector<1xi32>
      %squeeze3A = vector.extract %slice3A[0] : i32 from vector<1xi32>
      %add3A_37 = arith.constant 0 : i32
      %add3A_38 = arith.addi %squeeze3A, %add3A_37 : i32
      %swap3A = arith.index_cast %add3A_38 : i32 to index
      %swap3A_39 = tpu.vector_load %arg6[%swap3A] {strides = array<i32>} : memref<4128xi32, #tpu.memory_space<vmem>>, vector<16xi32>,
      tpu.vector_store %arg6[%swap3A], %broadcast_in_dim3A_17 {strides = array<i32>} : memref<4128xi32, #tpu.memory_space<vmem>>, vector<16xi32>,
      %add3A_40 = arith.constant 16 : i32
      %add3A_41 = arith.addi %squeeze3A, %add3A_40 : i32
      %swap3A_42 = arith.index_cast %add3A_41 : i32 to index
      %swap3A_43 = tpu.vector_load %arg6[%swap3A_42] {strides = array<i32>} : memref<4128xi32, #tpu.memory_space<vmem>>, vector<16xi32>,
      tpu.vector_store %arg6[%swap3A_42], %broadcast_in_dim3A_17 {strides = array<i32>} : memref<4128xi32, #tpu.memory_space<vmem>>, vector<16xi32>,
      %add3A_44 = arith.constant 32 : i32
      %add3A_45 = arith.addi %squeeze3A, %add3A_44 : i32
      %swap3A_46 = arith.index_cast %add3A_45 : i32 to index
      %swap3A_47 = tpu.vector_load %arg6[%swap3A_46] {strides = array<i32>} : memref<4128xi32, #tpu.memory_space<vmem>>, vector<16xi32>,
      tpu.vector_store %arg6[%swap3A_46], %broadcast_in_dim3A_17 {strides = array<i32>} : memref<4128xi32, #tpu.memory_space<vmem>>, vector<16xi32>,
      %add3A_48 = arith.constant 48 : i32
      %add3A_49 = arith.addi %squeeze3A, %add3A_48 : i32
      %swap3A_50 = arith.index_cast %add3A_49 : i32 to index
      %swap3A_51 = tpu.vector_load %arg6[%swap3A_50] {strides = array<i32>} : memref<4128xi32, #tpu.memory_space<vmem>>, vector<16xi32>,
      tpu.vector_store %arg6[%swap3A_50], %broadcast_in_dim3A_17 {strides = array<i32>} : memref<4128xi32, #tpu.memory_space<vmem>>, vector<16xi32>,
      %add3A_52 = arith.constant 63 : i32
      %add3A_53 = arith.addi %squeeze3A, %add3A_52 : i32
      %jit3A = arith.constant 64 : i32
      %div3A = arith.divsi %add3A_53, %jit3A : i32
      %sign3A = arith.constant 0 : i32
      %sign3A_54 = arith.cmpi sgt, %add3A_53, %sign3A : i32
      %sign3A_55 = arith.extui %sign3A_54 : i1 to i32
      %sign3A_56 = arith.constant 0 : i32
      %sign3A_57 = arith.cmpi slt, %add3A_53, %sign3A_56 : i32
      %sign3A_58 = arith.extui %sign3A_57 : i1 to i32
      %sign3A_59 = arith.subi %sign3A_55, %sign3A_58 : i32
      %sign3A_60 = arith.constant 0 : i32
      %sign3A_61 = arith.cmpi sgt, %jit3A, %sign3A_60 : i32
      %sign3A_62 = arith.extui %sign3A_61 : i1 to i32
      %sign3A_63 = arith.constant 0 : i32
      %sign3A_64 = arith.cmpi slt, %jit3A, %sign3A_63 : i32
      %sign3A_65 = arith.extui %sign3A_64 : i1 to i32
      %sign3A_66 = arith.subi %sign3A_62, %sign3A_65 : i32
      %ne3A = arith.cmpi ne, %sign3A_59, %sign3A_66 : i32
      %rem3A = arith.remsi %add3A_53, %jit3A : i32
      %ne3A_67 = arith.constant 0 : i32
      %ne3A_68 = arith.cmpi ne, %rem3A, %ne3A_67 : i32
      %and3A = arith.andi %ne3A, %ne3A_68 : i1
      %sub3A = arith.constant 1 : i32
      %sub3A_69 = arith.subi %div3A, %sub3A : i32
      %select_n3A = arith.select %and3A, %sub3A_69, %div3A : i32
      %mul3A_70 = arith.constant 4 : i32
      %mul3A_71 = arith.muli %select_n3A, %mul3A_70 : i32
      %while3A = arith.constant 0 : i32
      %while3A_72 = arith.constant 0 : i32
      %while3A_73 = arith.subi %mul3A_71, %while3A : i32
      %while3A_74 = arith.addi %while3A, %while3A_73 : i32
      %while3A_75 = arith.constant 1 : i32
      %while3A_76 = arith.divsi %while3A_73, %while3A_75 : i32
      %while3A_77 = arith.muli %while3A_76, %while3A_75 : i32
      %while3A_78 = arith.addi %while3A, %while3A_77 : i32
      %while3A_79 = arith.constant 1 : i32
      %while3A_80 = scf.for %while3A_96 = %while3A to %while3A_78 step %while3A_79 iter_args(%while3A_97 = %while3A_72) -> (i32)  : i32 {
        %mul3A_98 = arith.constant 16 : i32
        %mul3A_99 = arith.muli %while3A_96, %mul3A_98 : i32
        %get3A = arith.index_cast %mul3A_99 : i32 to index
        %get3A_100 = tpu.vector_load %arg6[%get3A] {strides = array<i32>} : memref<4128xi32, #tpu.memory_space<vmem>>, vector<16xi32>,
        %shift_right_logical3A = arith.constant 9 : i32
        %shift_right_logical3A_101 = vector.broadcast %shift_right_logical3A : i32 to vector<16xi32>
        %shift_right_logical3A_102 = arith.shrui %get3A_100, %shift_right_logical3A_101 : vector<16xi32>
        %mul3A_103 = arith.constant 16 : i32
        %mul3A_104 = arith.muli %while3A_96, %mul3A_103 : i32
        %swap3A_105 = arith.index_cast %mul3A_104 : i32 to index
        %swap3A_106 = tpu.vector_load %arg6[%swap3A_105] {strides = array<i32>} : memref<4128xi32, #tpu.memory_space<vmem>>, vector<16xi32>,
        tpu.vector_store %arg6[%swap3A_105], %shift_right_logical3A_102 {strides = array<i32>} : memref<4128xi32, #tpu.memory_space<vmem>>, vector<16xi32>,
        %and3A_107 = arith.constant 511 : i32
        %and3A_108 = vector.broadcast %and3A_107 : i32 to vector<16xi32>
        %and3A_109 = arith.andi %get3A_100, %and3A_108 : vector<16xi32>
        %mul3A_110 = arith.constant 16 : i32
        %mul3A_111 = arith.muli %while3A_96, %mul3A_110 : i32
        %swap3A_112 = arith.index_cast %mul3A_111 : i32 to index
        %swap3A_113 = tpu.vector_load %arg7[%swap3A_112] {strides = array<i32>} : memref<4128xi32, #tpu.memory_space<vmem>>, vector<16xi32>,
        tpu.vector_store %arg7[%swap3A_112], %and3A_109 {strides = array<i32>} : memref<4128xi32, #tpu.memory_space<vmem>>, vector<16xi32>,
        %while3A_114 = arith.constant 0 : i32
        scf.yield %while3A_114 : i32
      }
      %while3A_81 = arith.constant 1 : i32
      %while3A_82 = scf.for %while3A_96 = %while3A_78 to %while3A_74 step %while3A_81 iter_args(%while3A_97 = %while3A_80) -> (i32)  : i32 {
        %mul3A_98 = arith.constant 16 : i32
        %mul3A_99 = arith.muli %while3A_96, %mul3A_98 : i32
        %get3A = arith.index_cast %mul3A_99 : i32 to index
        %get3A_100 = tpu.vector_load %arg6[%get3A] {strides = array<i32>} : memref<4128xi32, #tpu.memory_space<vmem>>, vector<16xi32>,
        %shift_right_logical3A = arith.constant 9 : i32
        %shift_right_logical3A_101 = vector.broadcast %shift_right_logical3A : i32 to vector<16xi32>
        %shift_right_logical3A_102 = arith.shrui %get3A_100, %shift_right_logical3A_101 : vector<16xi32>
        %mul3A_103 = arith.constant 16 : i32
        %mul3A_104 = arith.muli %while3A_96, %mul3A_103 : i32
        %swap3A_105 = arith.index_cast %mul3A_104 : i32 to index
        %swap3A_106 = tpu.vector_load %arg6[%swap3A_105] {strides = array<i32>} : memref<4128xi32, #tpu.memory_space<vmem>>, vector<16xi32>,
        tpu.vector_store %arg6[%swap3A_105], %shift_right_logical3A_102 {strides = array<i32>} : memref<4128xi32, #tpu.memory_space<vmem>>, vector<16xi32>,
        %and3A_107 = arith.constant 511 : i32
        %and3A_108 = vector.broadcast %and3A_107 : i32 to vector<16xi32>
        %and3A_109 = arith.andi %get3A_100, %and3A_108 : vector<16xi32>
        %mul3A_110 = arith.constant 16 : i32
        %mul3A_111 = arith.muli %while3A_96, %mul3A_110 : i32
        %swap3A_112 = arith.index_cast %mul3A_111 : i32 to index
        %swap3A_113 = tpu.vector_load %arg7[%swap3A_112] {strides = array<i32>} : memref<4128xi32, #tpu.memory_space<vmem>>, vector<16xi32>,
        tpu.vector_store %arg7[%swap3A_112], %and3A_109 {strides = array<i32>} : memref<4128xi32, #tpu.memory_space<vmem>>, vector<16xi32>,
        %while3A_114 = arith.constant 0 : i32
        scf.yield %while3A_114 : i32
      }
      %while3A_83 = arith.constant 0 : i32
      %while3A_84 = arith.constant 0 : i32
      %while3A_85 = arith.subi %select_n3A, %while3A_83 : i32
      %while3A_86 = arith.addi %while3A_83, %while3A_85 : i32
      %while3A_87 = arith.constant 1 : i32
      %while3A_88 = arith.divsi %while3A_85, %while3A_87 : i32
      %while3A_89 = arith.muli %while3A_88, %while3A_87 : i32
      %while3A_90 = arith.addi %while3A_83, %while3A_89 : i32
      %while3A_91 = arith.constant 1 : i32
      %while3A_92 = scf.for %while3A_96 = %while3A_83 to %while3A_90 step %while3A_91 iter_args(%while3A_97 = %while3A_84) -> (i32)  : i32 {
        %mul3A_98 = arith.constant 64 : i32
        %mul3A_99 = arith.muli %while3A_96, %mul3A_98 : i32
        %dma_start3A = tpu.memref_slice %arg6[%mul3A_99] : memref<4128xi32, #tpu.memory_space<vmem>> -> memref<64xi32, #tpu.memory_space<vmem>>
        %dma_start3A_100 = arith.constant 0 : i32
        %dma_start3A_101 = arith.constant 0 : i32
        %dma_start3A_102 = tpu.memref_slice %arg10[%dma_start3A_100, %dma_start3A_101] : memref<10000x64xi32, #tpu.memory_space<vmem_shared>> -> memref<10000x64xi32, #tpu.memory_space<vmem_shared>>
        tpu.enqueue_indirect_dma source(%dma_start3A_102 : memref<10000x64xi32, #tpu.memory_space<vmem_shared>>) target(%arg8 : memref<64x64xi32, #tpu.memory_space<vmem>>) offsets(%dma_start3A : memref<64xi32, #tpu.memory_space<vmem>>) semaphore(%arg11 : memref<!tpu.dma_semaphore, #tpu.memory_space<semaphore_mem>>)
        %dma_wait3A = tpu.memref_slice %arg6[%mul3A_99] : memref<4128xi32, #tpu.memory_space<vmem>> -> memref<64xi32, #tpu.memory_space<vmem>>
        %dma_wait3A_103 = arith.constant 0 : i32
        %dma_wait3A_104 = arith.constant 0 : i32
        %dma_wait3A_105 = tpu.memref_slice %arg10[%dma_wait3A_103, %dma_wait3A_104] : memref<10000x64xi32, #tpu.memory_space<vmem_shared>> -> memref<10000x64xi32, #tpu.memory_space<vmem_shared>>
        tpu.wait_indirect_dma semaphore(%arg11 : memref<!tpu.dma_semaphore, #tpu.memory_space<semaphore_mem>>) src(%dma_wait3A_105 : memref<10000x64xi32, #tpu.memory_space<vmem_shared>>) dst(%arg8 : memref<64x64xi32, #tpu.memory_space<vmem>>)
        %mul3A_106 = arith.constant 64 : i32
        %mul3A_107 = arith.muli %while3A_96, %mul3A_106 : i32
        %sub3A_108 = arith.subi %squeeze3A, %mul3A_107 : i32
        %min3A = arith.constant 64 : i32
        %min3A_109 = arith.minsi %sub3A_108, %min3A : i32
        %while3A_110 = arith.constant 0 : i32
        %while3A_111 = arith.constant 0 : i32
        %while3A_112 = arith.subi %min3A_109, %while3A_110 : i32
        %while3A_113 = arith.addi %while3A_110, %while3A_112 : i32
        %while3A_114 = arith.constant 1 : i32
        %while3A_115 = arith.divsi %while3A_112, %while3A_114 : i32
        %while3A_116 = arith.muli %while3A_115, %while3A_114 : i32
        %while3A_117 = arith.addi %while3A_110, %while3A_116 : i32
        %while3A_118 = arith.constant 1 : i32
        %while3A_119 = scf.for %while3A_123 = %while3A_110 to %while3A_117 step %while3A_118 iter_args(%while3A_124 = %while3A_111) -> (i32)  : i32 {
          %mul3A_125 = arith.constant 64 : i32
          %mul3A_126 = arith.muli %while3A_96, %mul3A_125 : i32
          %add3A_127 = arith.addi %mul3A_126, %while3A_123 : i32
          %get3A = arith.index_cast %add3A_127 : i32 to index
          %get3A_128 = tpu.vector_load %arg7[%get3A] {strides = array<i32>} : memref<4128xi32, #tpu.memory_space<vmem>>, vector<16xi32>,
          %slice3A_129 = vector.extract_strided_slice %get3A_128 {offsets = [0], sizes = [1], strides = [1]} : vector<16xi32> to vector<1xi32>
          %squeeze3A_130 = vector.extract %slice3A_129[0] : i32 from vector<1xi32>
          %get3A_131 = arith.index_cast %while3A_123 : i32 to index
          %get3A_132 = arith.constant 0 : index
          %get3A_133 = tpu.vector_load %arg8[%get3A_131, %get3A_132] {strides = array<i32>} : memref<64x64xi32, #tpu.memory_space<vmem>>, vector<16xi32>,
          %bitcast3A = vector.bitcast %get3A_133 : vector<16xi32> to vector<32xbf16>
          %get3A_134 = arith.index_cast %squeeze3A_130 : i32 to index
          %get3A_135 = arith.constant 0 : index
          %get3A_136 = tpu.vector_load %arg9[%get3A_134, %get3A_135] {strides = array<i32>} : memref<320x128xbf16, #tpu.memory_space<vmem>>, vector<32xbf16>,
          %max3A = arith.maximumf %get3A_136, %bitcast3A : vector<32xbf16>
          %swap3A_137 = arith.index_cast %squeeze3A_130 : i32 to index
          %swap3A_138 = arith.constant 0 : index
          %swap3A_139 = tpu.vector_load %arg9[%swap3A_137, %swap3A_138] {strides = array<i32>} : memref<320x128xbf16, #tpu.memory_space<vmem>>, vector<32xbf16>,
          tpu.vector_store %arg9[%swap3A_137, %swap3A_138], %max3A {strides = array<i32>} : memref<320x128xbf16, #tpu.memory_space<vmem>>, vector<32xbf16>,
          %get3A_140 = arith.index_cast %while3A_123 : i32 to index
          %get3A_141 = arith.constant 16 : index
          %get3A_142 = tpu.vector_load %arg8[%get3A_140, %get3A_141] {strides = array<i32>} : memref<64x64xi32, #tpu.memory_space<vmem>>, vector<16xi32>,
          %bitcast3A_143 = vector.bitcast %get3A_142 : vector<16xi32> to vector<32xbf16>
          %get3A_144 = arith.index_cast %squeeze3A_130 : i32 to index
          %get3A_145 = arith.constant 32 : index
          %get3A_146 = tpu.vector_load %arg9[%get3A_144, %get3A_145] {strides = array<i32>} : memref<320x128xbf16, #tpu.memory_space<vmem>>, vector<32xbf16>,
          %max3A_147 = arith.maximumf %get3A_146, %bitcast3A_143 : vector<32xbf16>
          %swap3A_148 = arith.index_cast %squeeze3A_130 : i32 to index
          %swap3A_149 = arith.constant 32 : index
          %swap3A_150 = tpu.vector_load %arg9[%swap3A_148, %swap3A_149] {strides = array<i32>} : memref<320x128xbf16, #tpu.memory_space<vmem>>, vector<32xbf16>,
          tpu.vector_store %arg9[%swap3A_148, %swap3A_149], %max3A_147 {strides = array<i32>} : memref<320x128xbf16, #tpu.memory_space<vmem>>, vector<32xbf16>,
          %get3A_151 = arith.index_cast %while3A_123 : i32 to index
          %get3A_152 = arith.constant 32 : index
          %get3A_153 = tpu.vector_load %arg8[%get3A_151, %get3A_152] {strides = array<i32>} : memref<64x64xi32, #tpu.memory_space<vmem>>, vector<16xi32>,
          %bitcast3A_154 = vector.bitcast %get3A_153 : vector<16xi32> to vector<32xbf16>
          %get3A_155 = arith.index_cast %squeeze3A_130 : i32 to index
          %get3A_156 = arith.constant 64 : index
          %get3A_157 = tpu.vector_load %arg9[%get3A_155, %get3A_156] {strides = array<i32>} : memref<320x128xbf16, #tpu.memory_space<vmem>>, vector<32xbf16>,
          %max3A_158 = arith.maximumf %get3A_157, %bitcast3A_154 : vector<32xbf16>
          %swap3A_159 = arith.index_cast %squeeze3A_130 : i32 to index
          %swap3A_160 = arith.constant 64 : index
          %swap3A_161 = tpu.vector_load %arg9[%swap3A_159, %swap3A_160] {strides = array<i32>} : memref<320x128xbf16, #tpu.memory_space<vmem>>, vector<32xbf16>,
          tpu.vector_store %arg9[%swap3A_159, %swap3A_160], %max3A_158 {strides = array<i32>} : memref<320x128xbf16, #tpu.memory_space<vmem>>, vector<32xbf16>,
          %get3A_162 = arith.index_cast %while3A_123 : i32 to index
          %get3A_163 = arith.constant 48 : index
          %get3A_164 = tpu.vector_load %arg8[%get3A_162, %get3A_163] {strides = array<i32>} : memref<64x64xi32, #tpu.memory_space<vmem>>, vector<16xi32>,
          %bitcast3A_165 = vector.bitcast %get3A_164 : vector<16xi32> to vector<32xbf16>
          %get3A_166 = arith.index_cast %squeeze3A_130 : i32 to index
          %get3A_167 = arith.constant 96 : index
          %get3A_168 = tpu.vector_load %arg9[%get3A_166, %get3A_167] {strides = array<i32>} : memref<320x128xbf16, #tpu.memory_space<vmem>>, vector<32xbf16>,
          %max3A_169 = arith.maximumf %get3A_168, %bitcast3A_165 : vector<32xbf16>
          %swap3A_170 = arith.index_cast %squeeze3A_130 : i32 to index
          %swap3A_171 = arith.constant 96 : index
          %swap3A_172 = tpu.vector_load %arg9[%swap3A_170, %swap3A_171] {strides = array<i32>} : memref<320x128xbf16, #tpu.memory_space<vmem>>, vector<32xbf16>,
          tpu.vector_store %arg9[%swap3A_170, %swap3A_171], %max3A_169 {strides = array<i32>} : memref<320x128xbf16, #tpu.memory_space<vmem>>, vector<32xbf16>,
          %while3A_173 = arith.constant 0 : i32
          scf.yield %while3A_173 : i32
        }
        %while3A_120 = arith.constant 1 : i32
        %while3A_121 = scf.for %while3A_123 = %while3A_117 to %while3A_113 step %while3A_120 iter_args(%while3A_124 = %while3A_119) -> (i32)  : i32 {
          %mul3A_125 = arith.constant 64 : i32
          %mul3A_126 = arith.muli %while3A_96, %mul3A_125 : i32
          %add3A_127 = arith.addi %mul3A_126, %while3A_123 : i32
          %get3A = arith.index_cast %add3A_127 : i32 to index
          %get3A_128 = tpu.vector_load %arg7[%get3A] {strides = array<i32>} : memref<4128xi32, #tpu.memory_space<vmem>>, vector<16xi32>,
          %slice3A_129 = vector.extract_strided_slice %get3A_128 {offsets = [0], sizes = [1], strides = [1]} : vector<16xi32> to vector<1xi32>
          %squeeze3A_130 = vector.extract %slice3A_129[0] : i32 from vector<1xi32>
          %get3A_131 = arith.index_cast %while3A_123 : i32 to index
          %get3A_132 = arith.constant 0 : index
          %get3A_133 = tpu.vector_load %arg8[%get3A_131, %get3A_132] {strides = array<i32>} : memref<64x64xi32, #tpu.memory_space<vmem>>, vector<16xi32>,
          %bitcast3A = vector.bitcast %get3A_133 : vector<16xi32> to vector<32xbf16>
          %get3A_134 = arith.index_cast %squeeze3A_130 : i32 to index
          %get3A_135 = arith.constant 0 : index
          %get3A_136 = tpu.vector_load %arg9[%get3A_134, %get3A_135] {strides = array<i32>} : memref<320x128xbf16, #tpu.memory_space<vmem>>, vector<32xbf16>,
          %max3A = arith.maximumf %get3A_136, %bitcast3A : vector<32xbf16>
          %swap3A_137 = arith.index_cast %squeeze3A_130 : i32 to index
          %swap3A_138 = arith.constant 0 : index
          %swap3A_139 = tpu.vector_load %arg9[%swap3A_137, %swap3A_138] {strides = array<i32>} : memref<320x128xbf16, #tpu.memory_space<vmem>>, vector<32xbf16>,
          tpu.vector_store %arg9[%swap3A_137, %swap3A_138], %max3A {strides = array<i32>} : memref<320x128xbf16, #tpu.memory_space<vmem>>, vector<32xbf16>,
          %get3A_140 = arith.index_cast %while3A_123 : i32 to index
          %get3A_141 = arith.constant 16 : index
          %get3A_142 = tpu.vector_load %arg8[%get3A_140, %get3A_141] {strides = array<i32>} : memref<64x64xi32, #tpu.memory_space<vmem>>, vector<16xi32>,
          %bitcast3A_143 = vector.bitcast %get3A_142 : vector<16xi32> to vector<32xbf16>
          %get3A_144 = arith.index_cast %squeeze3A_130 : i32 to index
          %get3A_145 = arith.constant 32 : index
          %get3A_146 = tpu.vector_load %arg9[%get3A_144, %get3A_145] {strides = array<i32>} : memref<320x128xbf16, #tpu.memory_space<vmem>>, vector<32xbf16>,
          %max3A_147 = arith.maximumf %get3A_146, %bitcast3A_143 : vector<32xbf16>
          %swap3A_148 = arith.index_cast %squeeze3A_130 : i32 to index
          %swap3A_149 = arith.constant 32 : index
          %swap3A_150 = tpu.vector_load %arg9[%swap3A_148, %swap3A_149] {strides = array<i32>} : memref<320x128xbf16, #tpu.memory_space<vmem>>, vector<32xbf16>,
          tpu.vector_store %arg9[%swap3A_148, %swap3A_149], %max3A_147 {strides = array<i32>} : memref<320x128xbf16, #tpu.memory_space<vmem>>, vector<32xbf16>,
          %get3A_151 = arith.index_cast %while3A_123 : i32 to index
          %get3A_152 = arith.constant 32 : index
          %get3A_153 = tpu.vector_load %arg8[%get3A_151, %get3A_152] {strides = array<i32>} : memref<64x64xi32, #tpu.memory_space<vmem>>, vector<16xi32>,
          %bitcast3A_154 = vector.bitcast %get3A_153 : vector<16xi32> to vector<32xbf16>
          %get3A_155 = arith.index_cast %squeeze3A_130 : i32 to index
          %get3A_156 = arith.constant 64 : index
          %get3A_157 = tpu.vector_load %arg9[%get3A_155, %get3A_156] {strides = array<i32>} : memref<320x128xbf16, #tpu.memory_space<vmem>>, vector<32xbf16>,
          %max3A_158 = arith.maximumf %get3A_157, %bitcast3A_154 : vector<32xbf16>
          %swap3A_159 = arith.index_cast %squeeze3A_130 : i32 to index
          %swap3A_160 = arith.constant 64 : index
          %swap3A_161 = tpu.vector_load %arg9[%swap3A_159, %swap3A_160] {strides = array<i32>} : memref<320x128xbf16, #tpu.memory_space<vmem>>, vector<32xbf16>,
          tpu.vector_store %arg9[%swap3A_159, %swap3A_160], %max3A_158 {strides = array<i32>} : memref<320x128xbf16, #tpu.memory_space<vmem>>, vector<32xbf16>,
          %get3A_162 = arith.index_cast %while3A_123 : i32 to index
          %get3A_163 = arith.constant 48 : index
          %get3A_164 = tpu.vector_load %arg8[%get3A_162, %get3A_163] {strides = array<i32>} : memref<64x64xi32, #tpu.memory_space<vmem>>, vector<16xi32>,
          %bitcast3A_165 = vector.bitcast %get3A_164 : vector<16xi32> to vector<32xbf16>
          %get3A_166 = arith.index_cast %squeeze3A_130 : i32 to index
          %get3A_167 = arith.constant 96 : index
          %get3A_168 = tpu.vector_load %arg9[%get3A_166, %get3A_167] {strides = array<i32>} : memref<320x128xbf16, #tpu.memory_space<vmem>>, vector<32xbf16>,
          %max3A_169 = arith.maximumf %get3A_168, %bitcast3A_165 : vector<32xbf16>
          %swap3A_170 = arith.index_cast %squeeze3A_130 : i32 to index
          %swap3A_171 = arith.constant 96 : index
          %swap3A_172 = tpu.vector_load %arg9[%swap3A_170, %swap3A_171] {strides = array<i32>} : memref<320x128xbf16, #tpu.memory_space<vmem>>, vector<32xbf16>,
          tpu.vector_store %arg9[%swap3A_170, %swap3A_171], %max3A_169 {strides = array<i32>} : memref<320x128xbf16, #tpu.memory_space<vmem>>, vector<32xbf16>,
          %while3A_173 = arith.constant 0 : i32
          scf.yield %while3A_173 : i32
        }
        %while3A_122 = arith.constant 0 : i32
        scf.yield %while3A_122 : i32
      }
      %while3A_93 = arith.constant 1 : i32
      %while3A_94 = scf.for %while3A_96 = %while3A_90 to %while3A_86 step %while3A_93 iter_args(%while3A_97 = %while3A_92) -> (i32)  : i32 {
        %mul3A_98 = arith.constant 64 : i32
        %mul3A_99 = arith.muli %while3A_96, %mul3A_98 : i32
        %dma_start3A = tpu.memref_slice %arg6[%mul3A_99] : memref<4128xi32, #tpu.memory_space<vmem>> -> memref<64xi32, #tpu.memory_space<vmem>>
        %dma_start3A_100 = arith.constant 0 : i32
        %dma_start3A_101 = arith.constant 0 : i32
        %dma_start3A_102 = tpu.memref_slice %arg10[%dma_start3A_100, %dma_start3A_101] : memref<10000x64xi32, #tpu.memory_space<vmem_shared>> -> memref<10000x64xi32, #tpu.memory_space<vmem_shared>>
        tpu.enqueue_indirect_dma source(%dma_start3A_102 : memref<10000x64xi32, #tpu.memory_space<vmem_shared>>) target(%arg8 : memref<64x64xi32, #tpu.memory_space<vmem>>) offsets(%dma_start3A : memref<64xi32, #tpu.memory_space<vmem>>) semaphore(%arg11 : memref<!tpu.dma_semaphore, #tpu.memory_space<semaphore_mem>>)
        %dma_wait3A = tpu.memref_slice %arg6[%mul3A_99] : memref<4128xi32, #tpu.memory_space<vmem>> -> memref<64xi32, #tpu.memory_space<vmem>>
        %dma_wait3A_103 = arith.constant 0 : i32
        %dma_wait3A_104 = arith.constant 0 : i32
        %dma_wait3A_105 = tpu.memref_slice %arg10[%dma_wait3A_103, %dma_wait3A_104] : memref<10000x64xi32, #tpu.memory_space<vmem_shared>> -> memref<10000x64xi32, #tpu.memory_space<vmem_shared>>
        tpu.wait_indirect_dma semaphore(%arg11 : memref<!tpu.dma_semaphore, #tpu.memory_space<semaphore_mem>>) src(%dma_wait3A_105 : memref<10000x64xi32, #tpu.memory_space<vmem_shared>>) dst(%arg8 : memref<64x64xi32, #tpu.memory_space<vmem>>)
        %mul3A_106 = arith.constant 64 : i32
        %mul3A_107 = arith.muli %while3A_96, %mul3A_106 : i32
        %sub3A_108 = arith.subi %squeeze3A, %mul3A_107 : i32
        %min3A = arith.constant 64 : i32
        %min3A_109 = arith.minsi %sub3A_108, %min3A : i32
        %while3A_110 = arith.constant 0 : i32
        %while3A_111 = arith.constant 0 : i32
        %while3A_112 = arith.subi %min3A_109, %while3A_110 : i32
        %while3A_113 = arith.addi %while3A_110, %while3A_112 : i32
        %while3A_114 = arith.constant 1 : i32
        %while3A_115 = arith.divsi %while3A_112, %while3A_114 : i32
        %while3A_116 = arith.muli %while3A_115, %while3A_114 : i32
        %while3A_117 = arith.addi %while3A_110, %while3A_116 : i32
        %while3A_118 = arith.constant 1 : i32
        %while3A_119 = scf.for %while3A_123 = %while3A_110 to %while3A_117 step %while3A_118 iter_args(%while3A_124 = %while3A_111) -> (i32)  : i32 {
          %mul3A_125 = arith.constant 64 : i32
          %mul3A_126 = arith.muli %while3A_96, %mul3A_125 : i32
          %add3A_127 = arith.addi %mul3A_126, %while3A_123 : i32
          %get3A = arith.index_cast %add3A_127 : i32 to index
          %get3A_128 = tpu.vector_load %arg7[%get3A] {strides = array<i32>} : memref<4128xi32, #tpu.memory_space<vmem>>, vector<16xi32>,
          %slice3A_129 = vector.extract_strided_slice %get3A_128 {offsets = [0], sizes = [1], strides = [1]} : vector<16xi32> to vector<1xi32>
          %squeeze3A_130 = vector.extract %slice3A_129[0] : i32 from vector<1xi32>
          %get3A_131 = arith.index_cast %while3A_123 : i32 to index
          %get3A_132 = arith.constant 0 : index
          %get3A_133 = tpu.vector_load %arg8[%get3A_131, %get3A_132] {strides = array<i32>} : memref<64x64xi32, #tpu.memory_space<vmem>>, vector<16xi32>,
          %bitcast3A = vector.bitcast %get3A_133 : vector<16xi32> to vector<32xbf16>
          %get3A_134 = arith.index_cast %squeeze3A_130 : i32 to index
          %get3A_135 = arith.constant 0 : index
          %get3A_136 = tpu.vector_load %arg9[%get3A_134, %get3A_135] {strides = array<i32>} : memref<320x128xbf16, #tpu.memory_space<vmem>>, vector<32xbf16>,
          %max3A = arith.maximumf %get3A_136, %bitcast3A : vector<32xbf16>
          %swap3A_137 = arith.index_cast %squeeze3A_130 : i32 to index
          %swap3A_138 = arith.constant 0 : index
          %swap3A_139 = tpu.vector_load %arg9[%swap3A_137, %swap3A_138] {strides = array<i32>} : memref<320x128xbf16, #tpu.memory_space<vmem>>, vector<32xbf16>,
          tpu.vector_store %arg9[%swap3A_137, %swap3A_138], %max3A {strides = array<i32>} : memref<320x128xbf16, #tpu.memory_space<vmem>>, vector<32xbf16>,
          %get3A_140 = arith.index_cast %while3A_123 : i32 to index
          %get3A_141 = arith.constant 16 : index
          %get3A_142 = tpu.vector_load %arg8[%get3A_140, %get3A_141] {strides = array<i32>} : memref<64x64xi32, #tpu.memory_space<vmem>>, vector<16xi32>,
          %bitcast3A_143 = vector.bitcast %get3A_142 : vector<16xi32> to vector<32xbf16>
          %get3A_144 = arith.index_cast %squeeze3A_130 : i32 to index
          %get3A_145 = arith.constant 32 : index
          %get3A_146 = tpu.vector_load %arg9[%get3A_144, %get3A_145] {strides = array<i32>} : memref<320x128xbf16, #tpu.memory_space<vmem>>, vector<32xbf16>,
          %max3A_147 = arith.maximumf %get3A_146, %bitcast3A_143 : vector<32xbf16>
          %swap3A_148 = arith.index_cast %squeeze3A_130 : i32 to index
          %swap3A_149 = arith.constant 32 : index
          %swap3A_150 = tpu.vector_load %arg9[%swap3A_148, %swap3A_149] {strides = array<i32>} : memref<320x128xbf16, #tpu.memory_space<vmem>>, vector<32xbf16>,
          tpu.vector_store %arg9[%swap3A_148, %swap3A_149], %max3A_147 {strides = array<i32>} : memref<320x128xbf16, #tpu.memory_space<vmem>>, vector<32xbf16>,
          %get3A_151 = arith.index_cast %while3A_123 : i32 to index
          %get3A_152 = arith.constant 32 : index
          %get3A_153 = tpu.vector_load %arg8[%get3A_151, %get3A_152] {strides = array<i32>} : memref<64x64xi32, #tpu.memory_space<vmem>>, vector<16xi32>,
          %bitcast3A_154 = vector.bitcast %get3A_153 : vector<16xi32> to vector<32xbf16>
          %get3A_155 = arith.index_cast %squeeze3A_130 : i32 to index
          %get3A_156 = arith.constant 64 : index
          %get3A_157 = tpu.vector_load %arg9[%get3A_155, %get3A_156] {strides = array<i32>} : memref<320x128xbf16, #tpu.memory_space<vmem>>, vector<32xbf16>,
          %max3A_158 = arith.maximumf %get3A_157, %bitcast3A_154 : vector<32xbf16>
          %swap3A_159 = arith.index_cast %squeeze3A_130 : i32 to index
          %swap3A_160 = arith.constant 64 : index
          %swap3A_161 = tpu.vector_load %arg9[%swap3A_159, %swap3A_160] {strides = array<i32>} : memref<320x128xbf16, #tpu.memory_space<vmem>>, vector<32xbf16>,
          tpu.vector_store %arg9[%swap3A_159, %swap3A_160], %max3A_158 {strides = array<i32>} : memref<320x128xbf16, #tpu.memory_space<vmem>>, vector<32xbf16>,
          %get3A_162 = arith.index_cast %while3A_123 : i32 to index
          %get3A_163 = arith.constant 48 : index
          %get3A_164 = tpu.vector_load %arg8[%get3A_162, %get3A_163] {strides = array<i32>} : memref<64x64xi32, #tpu.memory_space<vmem>>, vector<16xi32>,
          %bitcast3A_165 = vector.bitcast %get3A_164 : vector<16xi32> to vector<32xbf16>
          %get3A_166 = arith.index_cast %squeeze3A_130 : i32 to index
          %get3A_167 = arith.constant 96 : index
          %get3A_168 = tpu.vector_load %arg9[%get3A_166, %get3A_167] {strides = array<i32>} : memref<320x128xbf16, #tpu.memory_space<vmem>>, vector<32xbf16>,
          %max3A_169 = arith.maximumf %get3A_168, %bitcast3A_165 : vector<32xbf16>
          %swap3A_170 = arith.index_cast %squeeze3A_130 : i32 to index
          %swap3A_171 = arith.constant 96 : index
          %swap3A_172 = tpu.vector_load %arg9[%swap3A_170, %swap3A_171] {strides = array<i32>} : memref<320x128xbf16, #tpu.memory_space<vmem>>, vector<32xbf16>,
          tpu.vector_store %arg9[%swap3A_170, %swap3A_171], %max3A_169 {strides = array<i32>} : memref<320x128xbf16, #tpu.memory_space<vmem>>, vector<32xbf16>,
          %while3A_173 = arith.constant 0 : i32
          scf.yield %while3A_173 : i32
        }
        %while3A_120 = arith.constant 1 : i32
        %while3A_121 = scf.for %while3A_123 = %while3A_117 to %while3A_113 step %while3A_120 iter_args(%while3A_124 = %while3A_119) -> (i32)  : i32 {
          %mul3A_125 = arith.constant 64 : i32
          %mul3A_126 = arith.muli %while3A_96, %mul3A_125 : i32
          %add3A_127 = arith.addi %mul3A_126, %while3A_123 : i32
          %get3A = arith.index_cast %add3A_127 : i32 to index
          %get3A_128 = tpu.vector_load %arg7[%get3A] {strides = array<i32>} : memref<4128xi32, #tpu.memory_space<vmem>>, vector<16xi32>,
          %slice3A_129 = vector.extract_strided_slice %get3A_128 {offsets = [0], sizes = [1], strides = [1]} : vector<16xi32> to vector<1xi32>
          %squeeze3A_130 = vector.extract %slice3A_129[0] : i32 from vector<1xi32>
          %get3A_131 = arith.index_cast %while3A_123 : i32 to index
          %get3A_132 = arith.constant 0 : index
          %get3A_133 = tpu.vector_load %arg8[%get3A_131, %get3A_132] {strides = array<i32>} : memref<64x64xi32, #tpu.memory_space<vmem>>, vector<16xi32>,
          %bitcast3A = vector.bitcast %get3A_133 : vector<16xi32> to vector<32xbf16>
          %get3A_134 = arith.index_cast %squeeze3A_130 : i32 to index
          %get3A_135 = arith.constant 0 : index
          %get3A_136 = tpu.vector_load %arg9[%get3A_134, %get3A_135] {strides = array<i32>} : memref<320x128xbf16, #tpu.memory_space<vmem>>, vector<32xbf16>,
          %max3A = arith.maximumf %get3A_136, %bitcast3A : vector<32xbf16>
          %swap3A_137 = arith.index_cast %squeeze3A_130 : i32 to index
          %swap3A_138 = arith.constant 0 : index
          %swap3A_139 = tpu.vector_load %arg9[%swap3A_137, %swap3A_138] {strides = array<i32>} : memref<320x128xbf16, #tpu.memory_space<vmem>>, vector<32xbf16>,
          tpu.vector_store %arg9[%swap3A_137, %swap3A_138], %max3A {strides = array<i32>} : memref<320x128xbf16, #tpu.memory_space<vmem>>, vector<32xbf16>,
          %get3A_140 = arith.index_cast %while3A_123 : i32 to index
          %get3A_141 = arith.constant 16 : index
          %get3A_142 = tpu.vector_load %arg8[%get3A_140, %get3A_141] {strides = array<i32>} : memref<64x64xi32, #tpu.memory_space<vmem>>, vector<16xi32>,
          %bitcast3A_143 = vector.bitcast %get3A_142 : vector<16xi32> to vector<32xbf16>
          %get3A_144 = arith.index_cast %squeeze3A_130 : i32 to index
          %get3A_145 = arith.constant 32 : index
          %get3A_146 = tpu.vector_load %arg9[%get3A_144, %get3A_145] {strides = array<i32>} : memref<320x128xbf16, #tpu.memory_space<vmem>>, vector<32xbf16>,
          %max3A_147 = arith.maximumf %get3A_146, %bitcast3A_143 : vector<32xbf16>
          %swap3A_148 = arith.index_cast %squeeze3A_130 : i32 to index
          %swap3A_149 = arith.constant 32 : index
          %swap3A_150 = tpu.vector_load %arg9[%swap3A_148, %swap3A_149] {strides = array<i32>} : memref<320x128xbf16, #tpu.memory_space<vmem>>, vector<32xbf16>,
          tpu.vector_store %arg9[%swap3A_148, %swap3A_149], %max3A_147 {strides = array<i32>} : memref<320x128xbf16, #tpu.memory_space<vmem>>, vector<32xbf16>,
          %get3A_151 = arith.index_cast %while3A_123 : i32 to index
          %get3A_152 = arith.constant 32 : index
          %get3A_153 = tpu.vector_load %arg8[%get3A_151, %get3A_152] {strides = array<i32>} : memref<64x64xi32, #tpu.memory_space<vmem>>, vector<16xi32>,
          %bitcast3A_154 = vector.bitcast %get3A_153 : vector<16xi32> to vector<32xbf16>
          %get3A_155 = arith.index_cast %squeeze3A_130 : i32 to index
          %get3A_156 = arith.constant 64 : index
          %get3A_157 = tpu.vector_load %arg9[%get3A_155, %get3A_156] {strides = array<i32>} : memref<320x128xbf16, #tpu.memory_space<vmem>>, vector<32xbf16>,
          %max3A_158 = arith.maximumf %get3A_157, %bitcast3A_154 : vector<32xbf16>
          %swap3A_159 = arith.index_cast %squeeze3A_130 : i32 to index
          %swap3A_160 = arith.constant 64 : index
          %swap3A_161 = tpu.vector_load %arg9[%swap3A_159, %swap3A_160] {strides = array<i32>} : memref<320x128xbf16, #tpu.memory_space<vmem>>, vector<32xbf16>,
          tpu.vector_store %arg9[%swap3A_159, %swap3A_160], %max3A_158 {strides = array<i32>} : memref<320x128xbf16, #tpu.memory_space<vmem>>, vector<32xbf16>,
          %get3A_162 = arith.index_cast %while3A_123 : i32 to index
          %get3A_163 = arith.constant 48 : index
          %get3A_164 = tpu.vector_load %arg8[%get3A_162, %get3A_163] {strides = array<i32>} : memref<64x64xi32, #tpu.memory_space<vmem>>, vector<16xi32>,
          %bitcast3A_165 = vector.bitcast %get3A_164 : vector<16xi32> to vector<32xbf16>
          %get3A_166 = arith.index_cast %squeeze3A_130 : i32 to index
          %get3A_167 = arith.constant 96 : index
          %get3A_168 = tpu.vector_load %arg9[%get3A_166, %get3A_167] {strides = array<i32>} : memref<320x128xbf16, #tpu.memory_space<vmem>>, vector<32xbf16>,
          %max3A_169 = arith.maximumf %get3A_168, %bitcast3A_165 : vector<32xbf16>
          %swap3A_170 = arith.index_cast %squeeze3A_130 : i32 to index
          %swap3A_171 = arith.constant 96 : index
          %swap3A_172 = tpu.vector_load %arg9[%swap3A_170, %swap3A_171] {strides = array<i32>} : memref<320x128xbf16, #tpu.memory_space<vmem>>, vector<32xbf16>,
          tpu.vector_store %arg9[%swap3A_170, %swap3A_171], %max3A_169 {strides = array<i32>} : memref<320x128xbf16, #tpu.memory_space<vmem>>, vector<32xbf16>,
          %while3A_173 = arith.constant 0 : i32
          scf.yield %while3A_173 : i32
        }
        %while3A_122 = arith.constant 0 : i32
        scf.yield %while3A_122 : i32
      }
      %scan3A_95 = arith.constant 0 : i32
      scf.yield %scan3A_95 : i32
    }
    %scan3A_24 = arith.constant 80 : i32
    "tpu.region"() ({
      %run_scoped3A = tpu.sem_alloc : memref<!tpu.dma_semaphore, #tpu.memory_space<semaphore_mem>>
      %dma_start3A = arith.constant 0 : i32
      %dma_start3A_25 = tpu.memref_slice %arg4[%mul3A_2, %dma_start3A] : memref<10240x128xbf16, #tpu.memory_space<hbm>> -> memref<320x128xbf16, #tpu.memory_space<hbm>>
      %dma_start3A_26 = arith.constant 0 : i32
      %dma_start3A_27 = tpu.memref_slice %arg4[%mul3A_2, %dma_start3A_26] : memref<10240x128xbf16, #tpu.memory_space<hbm>> -> memref<320x128xbf16, #tpu.memory_space<hbm>>
      tpu.enqueue_dma source(%arg9 : memref<320x128xbf16, #tpu.memory_space<vmem>>) target(%dma_start3A_27 : memref<320x128xbf16, #tpu.memory_space<hbm>>) target_semaphore(%run_scoped3A : memref<!tpu.dma_semaphore, #tpu.memory_space<semaphore_mem>>)
      %dma_wait3A = arith.constant 0 : i32
      %dma_wait3A_28 = tpu.memref_slice %arg4[%mul3A_2, %dma_wait3A] : memref<10240x128xbf16, #tpu.memory_space<hbm>> -> memref<320x128xbf16, #tpu.memory_space<hbm>>
      %dma_wait3A_29 = arith.constant 0 : i32
      %dma_wait3A_30 = tpu.memref_slice %arg4[%mul3A_2, %dma_wait3A_29] : memref<10240x128xbf16, #tpu.memory_space<hbm>> -> memref<320x128xbf16, #tpu.memory_space<hbm>>
      tpu.wait_dma2 semaphore(%run_scoped3A : memref<!tpu.dma_semaphore, #tpu.memory_space<semaphore_mem>>) src(%arg9 : memref<320x128xbf16, #tpu.memory_space<vmem>>) dst(%dma_wait3A_30 : memref<320x128xbf16, #tpu.memory_space<hbm>>)
      tpu.yield
    }) : () -> ()
    return
  }
}

#map = affine_map<(d0, d1) -> (0, 0)>
#map1 = affine_map<(d0, d1) -> (0)>
module attributes {stable_mosaic.version = 14 : i64} {
  func.func @_segmax_body(%arg0: i32, %arg1: i32, %arg2: memref<10000x64xi32, #tpu.memory_space<hbm>>, %arg3: memref<320000xi32, #tpu.memory_space<hbm>>, %arg4: memref<10240x128xbf16, #tpu.memory_space<hbm>>, %arg5: memref<4000xi32, #tpu.memory_space<vmem>>, %arg6: memref<4128xi32, #tpu.memory_space<vmem>>, %arg7: memref<4128xi32, #tpu.memory_space<vmem>>, %arg8: memref<64x64xi32, #tpu.memory_space<vmem>>, %arg9: memref<320x128xbf16, #tpu.memory_space<vmem>>, %arg10: memref<10000x64xi32, #tpu.memory_space<vmem_shared>>, %arg11: memref<!tpu.dma_semaphore, #tpu.memory_space<semaphore_mem>>) attributes {dimension_semantics = [#tpu.dimension_semantics<core_parallel>, #tpu.dimension_semantics<subcore_parallel>], iteration_bounds = array<i64: 2, 16>, scalar_prefetch = 0 : i64, scratch_operands = 7 : i64, tpu.core_type = #tpu.core_type<sc_vector_subcore>, window_params = [{transform_indices = #map}, {transform_indices = #map1}, {transform_indices = #map}]} {
    %mul3A = arith.constant 2 : i32
    %mul3A_0 = arith.muli %arg1, %mul3A : i32
    %add3A = arith.addi %mul3A_0, %arg0 : i32
    %mul3A_1 = arith.constant 320 : i32
    %mul3A_2 = arith.muli %add3A, %mul3A_1 : i32
    %lt3A = arith.constant 15 : i32
    %lt3A_3 = arith.cmpi slt, %arg1, %lt3A : i32
    %convert_element_type3A = arith.extui %lt3A_3 : i1 to i32
    %cond3A = arith.constant 0 : i32
    %cond3A_4 = arith.cmpi ne, %convert_element_type3A, %cond3A : i32
    scf.if %cond3A_4 {
      %mul3A_25 = arith.constant 624 : i32
      %mul3A_26 = arith.muli %arg1, %mul3A_25 : i32
      %multiple_of3A = tpu.assume_multiple %mul3A_26, 16 : i32
      "tpu.region"() ({
        %run_scoped3A = tpu.sem_alloc : memref<!tpu.dma_semaphore, #tpu.memory_space<semaphore_mem>>
        %dma_start3A = arith.constant 0 : i32
        %dma_start3A_27 = tpu.memref_slice %arg10[%multiple_of3A, %dma_start3A] : memref<10000x64xi32, #tpu.memory_space<vmem_shared>> -> memref<624x64xi32, #tpu.memory_space<vmem_shared>>
        %dma_start3A_28 = arith.constant 0 : i32
        %dma_start3A_29 = tpu.memref_slice %arg2[%multiple_of3A, %dma_start3A_28] : memref<10000x64xi32, #tpu.memory_space<hbm>> -> memref<624x64xi32, #tpu.memory_space<hbm>>
        tpu.enqueue_dma source(%dma_start3A_29 : memref<624x64xi32, #tpu.memory_space<hbm>>) target(%dma_start3A_27 : memref<624x64xi32, #tpu.memory_space<vmem_shared>>) target_semaphore(%run_scoped3A : memref<!tpu.dma_semaphore, #tpu.memory_space<semaphore_mem>>)
        %dma_wait3A = arith.constant 0 : i32
        %dma_wait3A_30 = tpu.memref_slice %arg10[%multiple_of3A, %dma_wait3A] : memref<10000x64xi32, #tpu.memory_space<vmem_shared>> -> memref<624x64xi32, #tpu.memory_space<vmem_shared>>
        %dma_wait3A_31 = arith.constant 0 : i32
        %dma_wait3A_32 = tpu.memref_slice %arg2[%multiple_of3A, %dma_wait3A_31] : memref<10000x64xi32, #tpu.memory_space<hbm>> -> memref<624x64xi32, #tpu.memory_space<hbm>>
        tpu.wait_dma2 semaphore(%run_scoped3A : memref<!tpu.dma_semaphore, #tpu.memory_space<semaphore_mem>>) src(%dma_wait3A_32 : memref<624x64xi32, #tpu.memory_space<hbm>>) dst(%dma_wait3A_30 : memref<624x64xi32, #tpu.memory_space<vmem_shared>>)
        tpu.yield
      }) : () -> ()
    } else {
    }
    %eq3A = arith.constant 15 : i32
    %eq3A_5 = arith.cmpi eq, %arg1, %eq3A : i32
    %convert_element_type3A_6 = arith.extui %eq3A_5 : i1 to i32
    %cond3A_7 = arith.constant 0 : i32
    %cond3A_8 = arith.cmpi ne, %convert_element_type3A_6, %cond3A_7 : i32
    scf.if %cond3A_8 {
      "tpu.region"() ({
        %run_scoped3A = tpu.sem_alloc : memref<!tpu.dma_semaphore, #tpu.memory_space<semaphore_mem>>
        %dma_start3A = arith.constant 9360 : i32
        %dma_start3A_25 = arith.constant 0 : i32
        %dma_start3A_26 = tpu.memref_slice %arg10[%dma_start3A, %dma_start3A_25] : memref<10000x64xi32, #tpu.memory_space<vmem_shared>> -> memref<640x64xi32, #tpu.memory_space<vmem_shared>>
        %dma_start3A_27 = arith.constant 9360 : i32
        %dma_start3A_28 = arith.constant 0 : i32
        %dma_start3A_29 = tpu.memref_slice %arg2[%dma_start3A_27, %dma_start3A_28] : memref<10000x64xi32, #tpu.memory_space<hbm>> -> memref<640x64xi32, #tpu.memory_space<hbm>>
        tpu.enqueue_dma source(%dma_start3A_29 : memref<640x64xi32, #tpu.memory_space<hbm>>) target(%dma_start3A_26 : memref<640x64xi32, #tpu.memory_space<vmem_shared>>) target_semaphore(%run_scoped3A : memref<!tpu.dma_semaphore, #tpu.memory_space<semaphore_mem>>)
        %dma_wait3A = arith.constant 9360 : i32
        %dma_wait3A_30 = arith.constant 0 : i32
        %dma_wait3A_31 = tpu.memref_slice %arg10[%dma_wait3A, %dma_wait3A_30] : memref<10000x64xi32, #tpu.memory_space<vmem_shared>> -> memref<640x64xi32, #tpu.memory_space<vmem_shared>>
        %dma_wait3A_32 = arith.constant 9360 : i32
        %dma_wait3A_33 = arith.constant 0 : i32
        %dma_wait3A_34 = tpu.memref_slice %arg2[%dma_wait3A_32, %dma_wait3A_33] : memref<10000x64xi32, #tpu.memory_space<hbm>> -> memref<640x64xi32, #tpu.memory_space<hbm>>
        tpu.wait_dma2 semaphore(%run_scoped3A : memref<!tpu.dma_semaphore, #tpu.memory_space<semaphore_mem>>) src(%dma_wait3A_34 : memref<640x64xi32, #tpu.memory_space<hbm>>) dst(%dma_wait3A_31 : memref<640x64xi32, #tpu.memory_space<vmem_shared>>)
        tpu.yield
      }) : () -> ()
    } else {
    }
    %broadcast_in_dim3A = arith.constant 0.000000e+00 : bf16
    %broadcast_in_dim3A_9 = vector.broadcast %broadcast_in_dim3A : bf16 to vector<32xbf16>
    %scan3A = arith.constant 0 : i32
    %scan3A_10 = arith.constant 0 : i32
    %scan3A_11 = arith.constant 320 : i32
    %scan3A_12 = arith.addi %scan3A_10, %scan3A_11 : i32
    %scan3A_13 = arith.constant 1 : i32
    %scan3A_14 = scf.for %scan3A_25 = %scan3A_10 to %scan3A_12 step %scan3A_13 iter_args(%scan3A_26 = %scan3A) -> (i32)  : i32 {
      %swap3A = arith.index_cast %scan3A_25 : i32 to index
      %swap3A_27 = arith.constant 0 : index
      %swap3A_28 = tpu.vector_load %arg9[%swap3A, %swap3A_27] {strides = array<i32>} : memref<320x128xbf16, #tpu.memory_space<vmem>>, vector<32xbf16>,
      tpu.vector_store %arg9[%swap3A, %swap3A_27], %broadcast_in_dim3A_9 {strides = array<i32>} : memref<320x128xbf16, #tpu.memory_space<vmem>>, vector<32xbf16>,
      %swap3A_29 = arith.index_cast %scan3A_25 : i32 to index
      %swap3A_30 = arith.constant 32 : index
      %swap3A_31 = tpu.vector_load %arg9[%swap3A_29, %swap3A_30] {strides = array<i32>} : memref<320x128xbf16, #tpu.memory_space<vmem>>, vector<32xbf16>,
      tpu.vector_store %arg9[%swap3A_29, %swap3A_30], %broadcast_in_dim3A_9 {strides = array<i32>} : memref<320x128xbf16, #tpu.memory_space<vmem>>, vector<32xbf16>,
      %swap3A_32 = arith.index_cast %scan3A_25 : i32 to index
      %swap3A_33 = arith.constant 64 : index
      %swap3A_34 = tpu.vector_load %arg9[%swap3A_32, %swap3A_33] {strides = array<i32>} : memref<320x128xbf16, #tpu.memory_space<vmem>>, vector<32xbf16>,
      tpu.vector_store %arg9[%swap3A_32, %swap3A_33], %broadcast_in_dim3A_9 {strides = array<i32>} : memref<320x128xbf16, #tpu.memory_space<vmem>>, vector<32xbf16>,
      %swap3A_35 = arith.index_cast %scan3A_25 : i32 to index
      %swap3A_36 = arith.constant 96 : index
      %swap3A_37 = tpu.vector_load %arg9[%swap3A_35, %swap3A_36] {strides = array<i32>} : memref<320x128xbf16, #tpu.memory_space<vmem>>, vector<32xbf16>,
      tpu.vector_store %arg9[%swap3A_35, %swap3A_36], %broadcast_in_dim3A_9 {strides = array<i32>} : memref<320x128xbf16, #tpu.memory_space<vmem>>, vector<32xbf16>,
      %scan3A_38 = arith.constant 0 : i32
      scf.yield %scan3A_38 : i32
    }
    %scan3A_15 = arith.constant 320 : i32
    %barrier3A = arith.constant 0 : index
    tpu.barrier barrier_id(%barrier3A)
    %broadcast_in_dim3A_16 = arith.constant 0 : i32
    %broadcast_in_dim3A_17 = vector.broadcast %broadcast_in_dim3A_16 : i32 to vector<16xi32>
    %scan3A_18 = arith.constant 0 : i32
    %scan3A_19 = arith.constant 0 : i32
    %scan3A_20 = arith.constant 80 : i32
    %scan3A_21 = arith.addi %scan3A_19, %scan3A_20 : i32
    %scan3A_22 = arith.constant 1 : i32
    %scan3A_23 = scf.for %scan3A_25 = %scan3A_19 to %scan3A_21 step %scan3A_22 iter_args(%scan3A_26 = %scan3A_18) -> (i32)  : i32 {
      %mul3A_27 = arith.constant 4000 : i32
      %mul3A_28 = arith.muli %scan3A_25, %mul3A_27 : i32
      %multiple_of3A = tpu.assume_multiple %mul3A_28, 8 : i32
      "tpu.region"() ({
        %run_scoped3A = tpu.sem_alloc : memref<!tpu.dma_semaphore, #tpu.memory_space<semaphore_mem>>
        %dma_start3A = tpu.memref_slice %arg3[%multiple_of3A] : memref<320000xi32, #tpu.memory_space<hbm>> -> memref<4000xi32, #tpu.memory_space<hbm>>
        %dma_start3A_96 = tpu.memref_slice %arg3[%multiple_of3A] : memref<320000xi32, #tpu.memory_space<hbm>> -> memref<4000xi32, #tpu.memory_space<hbm>>
        tpu.enqueue_dma source(%dma_start3A_96 : memref<4000xi32, #tpu.memory_space<hbm>>) target(%arg5 : memref<4000xi32, #tpu.memory_space<vmem>>) target_semaphore(%run_scoped3A : memref<!tpu.dma_semaphore, #tpu.memory_space<semaphore_mem>>)
        %dma_wait3A = tpu.memref_slice %arg3[%multiple_of3A] : memref<320000xi32, #tpu.memory_space<hbm>> -> memref<4000xi32, #tpu.memory_space<hbm>>
        %dma_wait3A_97 = tpu.memref_slice %arg3[%multiple_of3A] : memref<320000xi32, #tpu.memory_space<hbm>> -> memref<4000xi32, #tpu.memory_space<hbm>>
        tpu.wait_dma2 semaphore(%run_scoped3A : memref<!tpu.dma_semaphore, #tpu.memory_space<semaphore_mem>>) src(%dma_wait3A_97 : memref<4000xi32, #tpu.memory_space<hbm>>) dst(%arg5 : memref<4000xi32, #tpu.memory_space<vmem>>)
        tpu.yield
      }) : () -> ()
      %broadcast_in_dim3A_29 = arith.constant 0 : i32
      %broadcast_in_dim3A_30 = vector.broadcast %broadcast_in_dim3A_29 : i32 to vector<16xi32>
      %scan3A_31 = arith.constant 0 : i32
      %scan3A_32 = arith.constant 250 : i32
      %scan3A_33 = arith.addi %scan3A_31, %scan3A_32 : i32
      %scan3A_34 = arith.constant 1 : i32
      %scan3A_35 = scf.for %scan3A_96 = %scan3A_31 to %scan3A_33 step %scan3A_34 iter_args(%scan3A_97 = %broadcast_in_dim3A_30) -> (vector<16xi32>)  : i32 {
        %mul3A_98 = arith.constant 16 : i32
        %mul3A_99 = arith.muli %scan3A_96, %mul3A_98 : i32
        %get3A = arith.index_cast %mul3A_99 : i32 to index
        %get3A_100 = tpu.vector_load %arg5[%get3A] {strides = array<i32>} : memref<4000xi32, #tpu.memory_space<vmem>>, vector<16xi32>,
        %and3A_101 = arith.constant 16383 : i32
        %and3A_102 = vector.broadcast %and3A_101 : i32 to vector<16xi32>
        %and3A_103 = arith.andi %get3A_100, %and3A_102 : vector<16xi32>
        %shift_right_logical3A = arith.constant 14 : i32
        %shift_right_logical3A_104 = vector.broadcast %shift_right_logical3A : i32 to vector<16xi32>
        %shift_right_logical3A_105 = arith.shrui %get3A_100, %shift_right_logical3A_104 : vector<16xi32>
        %ge3A = vector.broadcast %mul3A_2 : i32 to vector<16xi32>
        %ge3A_106 = arith.cmpi sge, %and3A_103, %ge3A : vector<16xi32>
        %add3A_107 = arith.constant 320 : i32
        %add3A_108 = arith.addi %mul3A_2, %add3A_107 : i32
        %lt3A_109 = vector.broadcast %add3A_108 : i32 to vector<16xi32>
        %lt3A_110 = arith.cmpi slt, %and3A_103, %lt3A_109 : vector<16xi32>
        %and3A_111 = arith.andi %ge3A_106, %lt3A_110 : vector<16xi1>
        %convert_element_type3A_112 = arith.extui %and3A_111 : vector<16xi1> to vector<16xi32>
        %broadcast_in_dim3A_113 = arith.constant true
        %broadcast_in_dim3A_114 = vector.broadcast %broadcast_in_dim3A_113 : i1 to vector<16xi1>
        %masked_cumsum3A = tpu.scan <sum>, %convert_element_type3A_112 masked %broadcast_in_dim3A_114 : vector<16xi32>, vector<16xi1> -> vector<16xi32>
        %add3A_115 = arith.addi %scan3A_97, %masked_cumsum3A : vector<16xi32>
        %sub3A_116 = arith.constant 1 : i32
        %sub3A_117 = vector.broadcast %sub3A_116 : i32 to vector<16xi32>
        %sub3A_118 = arith.subi %add3A_115, %sub3A_117 : vector<16xi32>
        %mul3A_119 = arith.constant 512 : i32
        %mul3A_120 = vector.broadcast %mul3A_119 : i32 to vector<16xi32>
        %mul3A_121 = arith.muli %shift_right_logical3A_105, %mul3A_120 : vector<16xi32>
        %sub3A_122 = vector.broadcast %mul3A_2 : i32 to vector<16xi32>
        %sub3A_123 = arith.subi %and3A_103, %sub3A_122 : vector<16xi32>
        %add3A_124 = arith.addi %mul3A_121, %sub3A_123 : vector<16xi32>
        tpu.vector_store_idx %arg6[%sub3A_118], %add3A_124 masked %and3A_111 : memref<4128xi32, #tpu.memory_space<vmem>>[vector<16xi32>], vector<16xi32>, vector<16xi1>
        %all_reduce_population_count3A = tpu.all_reduce %and3A_111 {dim = 0 : i64, kind = #tpu.reduction_kind<sum>} : vector<16xi1> -> vector<16xi32>
        %add3A_125 = arith.addi %scan3A_97, %all_reduce_population_count3A : vector<16xi32>
        scf.yield %add3A_125 : vector<16xi32>
      }
      %scan3A_36 = arith.constant 250 : i32
      %slice3A = vector.extract_strided_slice %scan3A_35 {offsets = [0], sizes = [1], strides = [1]} : vector<16xi32> to vector<1xi32>
      %squeeze3A = vector.extract %slice3A[0] : i32 from vector<1xi32>
      %add3A_37 = arith.constant 0 : i32
      %add3A_38 = arith.addi %squeeze3A, %add3A_37 : i32
      %swap3A = arith.index_cast %add3A_38 : i32 to index
      %swap3A_39 = tpu.vector_load %arg6[%swap3A] {strides = array<i32>} : memref<4128xi32, #tpu.memory_space<vmem>>, vector<16xi32>,
      tpu.vector_store %arg6[%swap3A], %broadcast_in_dim3A_17 {strides = array<i32>} : memref<4128xi32, #tpu.memory_space<vmem>>, vector<16xi32>,
      %add3A_40 = arith.constant 16 : i32
      %add3A_41 = arith.addi %squeeze3A, %add3A_40 : i32
      %swap3A_42 = arith.index_cast %add3A_41 : i32 to index
      %swap3A_43 = tpu.vector_load %arg6[%swap3A_42] {strides = array<i32>} : memref<4128xi32, #tpu.memory_space<vmem>>, vector<16xi32>,
      tpu.vector_store %arg6[%swap3A_42], %broadcast_in_dim3A_17 {strides = array<i32>} : memref<4128xi32, #tpu.memory_space<vmem>>, vector<16xi32>,
      %add3A_44 = arith.constant 32 : i32
      %add3A_45 = arith.addi %squeeze3A, %add3A_44 : i32
      %swap3A_46 = arith.index_cast %add3A_45 : i32 to index
      %swap3A_47 = tpu.vector_load %arg6[%swap3A_46] {strides = array<i32>} : memref<4128xi32, #tpu.memory_space<vmem>>, vector<16xi32>,
      tpu.vector_store %arg6[%swap3A_46], %broadcast_in_dim3A_17 {strides = array<i32>} : memref<4128xi32, #tpu.memory_space<vmem>>, vector<16xi32>,
      %add3A_48 = arith.constant 48 : i32
      %add3A_49 = arith.addi %squeeze3A, %add3A_48 : i32
      %swap3A_50 = arith.index_cast %add3A_49 : i32 to index
      %swap3A_51 = tpu.vector_load %arg6[%swap3A_50] {strides = array<i32>} : memref<4128xi32, #tpu.memory_space<vmem>>, vector<16xi32>,
      tpu.vector_store %arg6[%swap3A_50], %broadcast_in_dim3A_17 {strides = array<i32>} : memref<4128xi32, #tpu.memory_space<vmem>>, vector<16xi32>,
      %add3A_52 = arith.constant 63 : i32
      %add3A_53 = arith.addi %squeeze3A, %add3A_52 : i32
      %jit3A = arith.constant 64 : i32
      %div3A = arith.divsi %add3A_53, %jit3A : i32
      %sign3A = arith.constant 0 : i32
      %sign3A_54 = arith.cmpi sgt, %add3A_53, %sign3A : i32
      %sign3A_55 = arith.extui %sign3A_54 : i1 to i32
      %sign3A_56 = arith.constant 0 : i32
      %sign3A_57 = arith.cmpi slt, %add3A_53, %sign3A_56 : i32
      %sign3A_58 = arith.extui %sign3A_57 : i1 to i32
      %sign3A_59 = arith.subi %sign3A_55, %sign3A_58 : i32
      %sign3A_60 = arith.constant 0 : i32
      %sign3A_61 = arith.cmpi sgt, %jit3A, %sign3A_60 : i32
      %sign3A_62 = arith.extui %sign3A_61 : i1 to i32
      %sign3A_63 = arith.constant 0 : i32
      %sign3A_64 = arith.cmpi slt, %jit3A, %sign3A_63 : i32
      %sign3A_65 = arith.extui %sign3A_64 : i1 to i32
      %sign3A_66 = arith.subi %sign3A_62, %sign3A_65 : i32
      %ne3A = arith.cmpi ne, %sign3A_59, %sign3A_66 : i32
      %rem3A = arith.remsi %add3A_53, %jit3A : i32
      %ne3A_67 = arith.constant 0 : i32
      %ne3A_68 = arith.cmpi ne, %rem3A, %ne3A_67 : i32
      %and3A = arith.andi %ne3A, %ne3A_68 : i1
      %sub3A = arith.constant 1 : i32
      %sub3A_69 = arith.subi %div3A, %sub3A : i32
      %select_n3A = arith.select %and3A, %sub3A_69, %div3A : i32
      %mul3A_70 = arith.constant 4 : i32
      %mul3A_71 = arith.muli %select_n3A, %mul3A_70 : i32
      %while3A = arith.constant 0 : i32
      %while3A_72 = arith.constant 0 : i32
      %while3A_73 = arith.subi %mul3A_71, %while3A : i32
      %while3A_74 = arith.addi %while3A, %while3A_73 : i32
      %while3A_75 = arith.constant 1 : i32
      %while3A_76 = arith.divsi %while3A_73, %while3A_75 : i32
      %while3A_77 = arith.muli %while3A_76, %while3A_75 : i32
      %while3A_78 = arith.addi %while3A, %while3A_77 : i32
      %while3A_79 = arith.constant 1 : i32
      %while3A_80 = scf.for %while3A_96 = %while3A to %while3A_78 step %while3A_79 iter_args(%while3A_97 = %while3A_72) -> (i32)  : i32 {
        %mul3A_98 = arith.constant 16 : i32
        %mul3A_99 = arith.muli %while3A_96, %mul3A_98 : i32
        %get3A = arith.index_cast %mul3A_99 : i32 to index
        %get3A_100 = tpu.vector_load %arg6[%get3A] {strides = array<i32>} : memref<4128xi32, #tpu.memory_space<vmem>>, vector<16xi32>,
        %shift_right_logical3A = arith.constant 9 : i32
        %shift_right_logical3A_101 = vector.broadcast %shift_right_logical3A : i32 to vector<16xi32>
        %shift_right_logical3A_102 = arith.shrui %get3A_100, %shift_right_logical3A_101 : vector<16xi32>
        %mul3A_103 = arith.constant 16 : i32
        %mul3A_104 = arith.muli %while3A_96, %mul3A_103 : i32
        %swap3A_105 = arith.index_cast %mul3A_104 : i32 to index
        %swap3A_106 = tpu.vector_load %arg6[%swap3A_105] {strides = array<i32>} : memref<4128xi32, #tpu.memory_space<vmem>>, vector<16xi32>,
        tpu.vector_store %arg6[%swap3A_105], %shift_right_logical3A_102 {strides = array<i32>} : memref<4128xi32, #tpu.memory_space<vmem>>, vector<16xi32>,
        %and3A_107 = arith.constant 511 : i32
        %and3A_108 = vector.broadcast %and3A_107 : i32 to vector<16xi32>
        %and3A_109 = arith.andi %get3A_100, %and3A_108 : vector<16xi32>
        %mul3A_110 = arith.constant 16 : i32
        %mul3A_111 = arith.muli %while3A_96, %mul3A_110 : i32
        %swap3A_112 = arith.index_cast %mul3A_111 : i32 to index
        %swap3A_113 = tpu.vector_load %arg7[%swap3A_112] {strides = array<i32>} : memref<4128xi32, #tpu.memory_space<vmem>>, vector<16xi32>,
        tpu.vector_store %arg7[%swap3A_112], %and3A_109 {strides = array<i32>} : memref<4128xi32, #tpu.memory_space<vmem>>, vector<16xi32>,
        %while3A_114 = arith.constant 0 : i32
        scf.yield %while3A_114 : i32
      }
      %while3A_81 = arith.constant 1 : i32
      %while3A_82 = scf.for %while3A_96 = %while3A_78 to %while3A_74 step %while3A_81 iter_args(%while3A_97 = %while3A_80) -> (i32)  : i32 {
        %mul3A_98 = arith.constant 16 : i32
        %mul3A_99 = arith.muli %while3A_96, %mul3A_98 : i32
        %get3A = arith.index_cast %mul3A_99 : i32 to index
        %get3A_100 = tpu.vector_load %arg6[%get3A] {strides = array<i32>} : memref<4128xi32, #tpu.memory_space<vmem>>, vector<16xi32>,
        %shift_right_logical3A = arith.constant 9 : i32
        %shift_right_logical3A_101 = vector.broadcast %shift_right_logical3A : i32 to vector<16xi32>
        %shift_right_logical3A_102 = arith.shrui %get3A_100, %shift_right_logical3A_101 : vector<16xi32>
        %mul3A_103 = arith.constant 16 : i32
        %mul3A_104 = arith.muli %while3A_96, %mul3A_103 : i32
        %swap3A_105 = arith.index_cast %mul3A_104 : i32 to index
        %swap3A_106 = tpu.vector_load %arg6[%swap3A_105] {strides = array<i32>} : memref<4128xi32, #tpu.memory_space<vmem>>, vector<16xi32>,
        tpu.vector_store %arg6[%swap3A_105], %shift_right_logical3A_102 {strides = array<i32>} : memref<4128xi32, #tpu.memory_space<vmem>>, vector<16xi32>,
        %and3A_107 = arith.constant 511 : i32
        %and3A_108 = vector.broadcast %and3A_107 : i32 to vector<16xi32>
        %and3A_109 = arith.andi %get3A_100, %and3A_108 : vector<16xi32>
        %mul3A_110 = arith.constant 16 : i32
        %mul3A_111 = arith.muli %while3A_96, %mul3A_110 : i32
        %swap3A_112 = arith.index_cast %mul3A_111 : i32 to index
        %swap3A_113 = tpu.vector_load %arg7[%swap3A_112] {strides = array<i32>} : memref<4128xi32, #tpu.memory_space<vmem>>, vector<16xi32>,
        tpu.vector_store %arg7[%swap3A_112], %and3A_109 {strides = array<i32>} : memref<4128xi32, #tpu.memory_space<vmem>>, vector<16xi32>,
        %while3A_114 = arith.constant 0 : i32
        scf.yield %while3A_114 : i32
      }
      %while3A_83 = arith.constant 0 : i32
      %while3A_84 = arith.constant 0 : i32
      %while3A_85 = arith.subi %select_n3A, %while3A_83 : i32
      %while3A_86 = arith.addi %while3A_83, %while3A_85 : i32
      %while3A_87 = arith.constant 1 : i32
      %while3A_88 = arith.divsi %while3A_85, %while3A_87 : i32
      %while3A_89 = arith.muli %while3A_88, %while3A_87 : i32
      %while3A_90 = arith.addi %while3A_83, %while3A_89 : i32
      %while3A_91 = arith.constant 1 : i32
      %while3A_92 = scf.for %while3A_96 = %while3A_83 to %while3A_90 step %while3A_91 iter_args(%while3A_97 = %while3A_84) -> (i32)  : i32 {
        %mul3A_98 = arith.constant 64 : i32
        %mul3A_99 = arith.muli %while3A_96, %mul3A_98 : i32
        %dma_start3A = tpu.memref_slice %arg6[%mul3A_99] : memref<4128xi32, #tpu.memory_space<vmem>> -> memref<64xi32, #tpu.memory_space<vmem>>
        %dma_start3A_100 = arith.constant 0 : i32
        %dma_start3A_101 = arith.constant 0 : i32
        %dma_start3A_102 = tpu.memref_slice %arg10[%dma_start3A_100, %dma_start3A_101] : memref<10000x64xi32, #tpu.memory_space<vmem_shared>> -> memref<10000x64xi32, #tpu.memory_space<vmem_shared>>
        tpu.enqueue_indirect_dma source(%dma_start3A_102 : memref<10000x64xi32, #tpu.memory_space<vmem_shared>>) target(%arg8 : memref<64x64xi32, #tpu.memory_space<vmem>>) offsets(%dma_start3A : memref<64xi32, #tpu.memory_space<vmem>>) semaphore(%arg11 : memref<!tpu.dma_semaphore, #tpu.memory_space<semaphore_mem>>)
        %dma_wait3A = tpu.memref_slice %arg6[%mul3A_99] : memref<4128xi32, #tpu.memory_space<vmem>> -> memref<64xi32, #tpu.memory_space<vmem>>
        %dma_wait3A_103 = arith.constant 0 : i32
        %dma_wait3A_104 = arith.constant 0 : i32
        %dma_wait3A_105 = tpu.memref_slice %arg10[%dma_wait3A_103, %dma_wait3A_104] : memref<10000x64xi32, #tpu.memory_space<vmem_shared>> -> memref<10000x64xi32, #tpu.memory_space<vmem_shared>>
        tpu.wait_indirect_dma semaphore(%arg11 : memref<!tpu.dma_semaphore, #tpu.memory_space<semaphore_mem>>) src(%dma_wait3A_105 : memref<10000x64xi32, #tpu.memory_space<vmem_shared>>) dst(%arg8 : memref<64x64xi32, #tpu.memory_space<vmem>>)
        %mul3A_106 = arith.constant 64 : i32
        %mul3A_107 = arith.muli %while3A_96, %mul3A_106 : i32
        %sub3A_108 = arith.subi %squeeze3A, %mul3A_107 : i32
        %min3A = arith.constant 64 : i32
        %min3A_109 = arith.minsi %sub3A_108, %min3A : i32
        %while3A_110 = arith.constant 0 : i32
        %while3A_111 = arith.constant 0 : i32
        %while3A_112 = arith.subi %min3A_109, %while3A_110 : i32
        %while3A_113 = arith.addi %while3A_110, %while3A_112 : i32
        %while3A_114 = arith.constant 1 : i32
        %while3A_115 = arith.divsi %while3A_112, %while3A_114 : i32
        %while3A_116 = arith.muli %while3A_115, %while3A_114 : i32
        %while3A_117 = arith.addi %while3A_110, %while3A_116 : i32
        %while3A_118 = arith.constant 1 : i32
        %while3A_119 = scf.for %while3A_123 = %while3A_110 to %while3A_117 step %while3A_118 iter_args(%while3A_124 = %while3A_111) -> (i32)  : i32 {
          %mul3A_125 = arith.constant 64 : i32
          %mul3A_126 = arith.muli %while3A_96, %mul3A_125 : i32
          %add3A_127 = arith.addi %mul3A_126, %while3A_123 : i32
          %get3A = arith.index_cast %add3A_127 : i32 to index
          %get3A_128 = tpu.vector_load %arg7[%get3A] {strides = array<i32>} : memref<4128xi32, #tpu.memory_space<vmem>>, vector<16xi32>,
          %slice3A_129 = vector.extract_strided_slice %get3A_128 {offsets = [0], sizes = [1], strides = [1]} : vector<16xi32> to vector<1xi32>
          %squeeze3A_130 = vector.extract %slice3A_129[0] : i32 from vector<1xi32>
          %get3A_131 = arith.index_cast %while3A_123 : i32 to index
          %get3A_132 = arith.constant 0 : index
          %get3A_133 = tpu.vector_load %arg8[%get3A_131, %get3A_132] {strides = array<i32>} : memref<64x64xi32, #tpu.memory_space<vmem>>, vector<16xi32>,
          %bitcast3A = vector.bitcast %get3A_133 : vector<16xi32> to vector<32xbf16>
          %get3A_134 = arith.index_cast %squeeze3A_130 : i32 to index
          %get3A_135 = arith.constant 0 : index
          %get3A_136 = tpu.vector_load %arg9[%get3A_134, %get3A_135] {strides = array<i32>} : memref<320x128xbf16, #tpu.memory_space<vmem>>, vector<32xbf16>,
          %max3A = arith.maximumf %get3A_136, %bitcast3A : vector<32xbf16>
          %swap3A_137 = arith.index_cast %squeeze3A_130 : i32 to index
          %swap3A_138 = arith.constant 0 : index
          %swap3A_139 = tpu.vector_load %arg9[%swap3A_137, %swap3A_138] {strides = array<i32>} : memref<320x128xbf16, #tpu.memory_space<vmem>>, vector<32xbf16>,
          tpu.vector_store %arg9[%swap3A_137, %swap3A_138], %max3A {strides = array<i32>} : memref<320x128xbf16, #tpu.memory_space<vmem>>, vector<32xbf16>,
          %get3A_140 = arith.index_cast %while3A_123 : i32 to index
          %get3A_141 = arith.constant 16 : index
          %get3A_142 = tpu.vector_load %arg8[%get3A_140, %get3A_141] {strides = array<i32>} : memref<64x64xi32, #tpu.memory_space<vmem>>, vector<16xi32>,
          %bitcast3A_143 = vector.bitcast %get3A_142 : vector<16xi32> to vector<32xbf16>
          %get3A_144 = arith.index_cast %squeeze3A_130 : i32 to index
          %get3A_145 = arith.constant 32 : index
          %get3A_146 = tpu.vector_load %arg9[%get3A_144, %get3A_145] {strides = array<i32>} : memref<320x128xbf16, #tpu.memory_space<vmem>>, vector<32xbf16>,
          %max3A_147 = arith.maximumf %get3A_146, %bitcast3A_143 : vector<32xbf16>
          %swap3A_148 = arith.index_cast %squeeze3A_130 : i32 to index
          %swap3A_149 = arith.constant 32 : index
          %swap3A_150 = tpu.vector_load %arg9[%swap3A_148, %swap3A_149] {strides = array<i32>} : memref<320x128xbf16, #tpu.memory_space<vmem>>, vector<32xbf16>,
          tpu.vector_store %arg9[%swap3A_148, %swap3A_149], %max3A_147 {strides = array<i32>} : memref<320x128xbf16, #tpu.memory_space<vmem>>, vector<32xbf16>,
          %get3A_151 = arith.index_cast %while3A_123 : i32 to index
          %get3A_152 = arith.constant 32 : index
          %get3A_153 = tpu.vector_load %arg8[%get3A_151, %get3A_152] {strides = array<i32>} : memref<64x64xi32, #tpu.memory_space<vmem>>, vector<16xi32>,
          %bitcast3A_154 = vector.bitcast %get3A_153 : vector<16xi32> to vector<32xbf16>
          %get3A_155 = arith.index_cast %squeeze3A_130 : i32 to index
          %get3A_156 = arith.constant 64 : index
          %get3A_157 = tpu.vector_load %arg9[%get3A_155, %get3A_156] {strides = array<i32>} : memref<320x128xbf16, #tpu.memory_space<vmem>>, vector<32xbf16>,
          %max3A_158 = arith.maximumf %get3A_157, %bitcast3A_154 : vector<32xbf16>
          %swap3A_159 = arith.index_cast %squeeze3A_130 : i32 to index
          %swap3A_160 = arith.constant 64 : index
          %swap3A_161 = tpu.vector_load %arg9[%swap3A_159, %swap3A_160] {strides = array<i32>} : memref<320x128xbf16, #tpu.memory_space<vmem>>, vector<32xbf16>,
          tpu.vector_store %arg9[%swap3A_159, %swap3A_160], %max3A_158 {strides = array<i32>} : memref<320x128xbf16, #tpu.memory_space<vmem>>, vector<32xbf16>,
          %get3A_162 = arith.index_cast %while3A_123 : i32 to index
          %get3A_163 = arith.constant 48 : index
          %get3A_164 = tpu.vector_load %arg8[%get3A_162, %get3A_163] {strides = array<i32>} : memref<64x64xi32, #tpu.memory_space<vmem>>, vector<16xi32>,
          %bitcast3A_165 = vector.bitcast %get3A_164 : vector<16xi32> to vector<32xbf16>
          %get3A_166 = arith.index_cast %squeeze3A_130 : i32 to index
          %get3A_167 = arith.constant 96 : index
          %get3A_168 = tpu.vector_load %arg9[%get3A_166, %get3A_167] {strides = array<i32>} : memref<320x128xbf16, #tpu.memory_space<vmem>>, vector<32xbf16>,
          %max3A_169 = arith.maximumf %get3A_168, %bitcast3A_165 : vector<32xbf16>
          %swap3A_170 = arith.index_cast %squeeze3A_130 : i32 to index
          %swap3A_171 = arith.constant 96 : index
          %swap3A_172 = tpu.vector_load %arg9[%swap3A_170, %swap3A_171] {strides = array<i32>} : memref<320x128xbf16, #tpu.memory_space<vmem>>, vector<32xbf16>,
          tpu.vector_store %arg9[%swap3A_170, %swap3A_171], %max3A_169 {strides = array<i32>} : memref<320x128xbf16, #tpu.memory_space<vmem>>, vector<32xbf16>,
          %while3A_173 = arith.constant 0 : i32
          scf.yield %while3A_173 : i32
        }
        %while3A_120 = arith.constant 1 : i32
        %while3A_121 = scf.for %while3A_123 = %while3A_117 to %while3A_113 step %while3A_120 iter_args(%while3A_124 = %while3A_119) -> (i32)  : i32 {
          %mul3A_125 = arith.constant 64 : i32
          %mul3A_126 = arith.muli %while3A_96, %mul3A_125 : i32
          %add3A_127 = arith.addi %mul3A_126, %while3A_123 : i32
          %get3A = arith.index_cast %add3A_127 : i32 to index
          %get3A_128 = tpu.vector_load %arg7[%get3A] {strides = array<i32>} : memref<4128xi32, #tpu.memory_space<vmem>>, vector<16xi32>,
          %slice3A_129 = vector.extract_strided_slice %get3A_128 {offsets = [0], sizes = [1], strides = [1]} : vector<16xi32> to vector<1xi32>
          %squeeze3A_130 = vector.extract %slice3A_129[0] : i32 from vector<1xi32>
          %get3A_131 = arith.index_cast %while3A_123 : i32 to index
          %get3A_132 = arith.constant 0 : index
          %get3A_133 = tpu.vector_load %arg8[%get3A_131, %get3A_132] {strides = array<i32>} : memref<64x64xi32, #tpu.memory_space<vmem>>, vector<16xi32>,
          %bitcast3A = vector.bitcast %get3A_133 : vector<16xi32> to vector<32xbf16>
          %get3A_134 = arith.index_cast %squeeze3A_130 : i32 to index
          %get3A_135 = arith.constant 0 : index
          %get3A_136 = tpu.vector_load %arg9[%get3A_134, %get3A_135] {strides = array<i32>} : memref<320x128xbf16, #tpu.memory_space<vmem>>, vector<32xbf16>,
          %max3A = arith.maximumf %get3A_136, %bitcast3A : vector<32xbf16>
          %swap3A_137 = arith.index_cast %squeeze3A_130 : i32 to index
          %swap3A_138 = arith.constant 0 : index
          %swap3A_139 = tpu.vector_load %arg9[%swap3A_137, %swap3A_138] {strides = array<i32>} : memref<320x128xbf16, #tpu.memory_space<vmem>>, vector<32xbf16>,
          tpu.vector_store %arg9[%swap3A_137, %swap3A_138], %max3A {strides = array<i32>} : memref<320x128xbf16, #tpu.memory_space<vmem>>, vector<32xbf16>,
          %get3A_140 = arith.index_cast %while3A_123 : i32 to index
          %get3A_141 = arith.constant 16 : index
          %get3A_142 = tpu.vector_load %arg8[%get3A_140, %get3A_141] {strides = array<i32>} : memref<64x64xi32, #tpu.memory_space<vmem>>, vector<16xi32>,
          %bitcast3A_143 = vector.bitcast %get3A_142 : vector<16xi32> to vector<32xbf16>
          %get3A_144 = arith.index_cast %squeeze3A_130 : i32 to index
          %get3A_145 = arith.constant 32 : index
          %get3A_146 = tpu.vector_load %arg9[%get3A_144, %get3A_145] {strides = array<i32>} : memref<320x128xbf16, #tpu.memory_space<vmem>>, vector<32xbf16>,
          %max3A_147 = arith.maximumf %get3A_146, %bitcast3A_143 : vector<32xbf16>
          %swap3A_148 = arith.index_cast %squeeze3A_130 : i32 to index
          %swap3A_149 = arith.constant 32 : index
          %swap3A_150 = tpu.vector_load %arg9[%swap3A_148, %swap3A_149] {strides = array<i32>} : memref<320x128xbf16, #tpu.memory_space<vmem>>, vector<32xbf16>,
          tpu.vector_store %arg9[%swap3A_148, %swap3A_149], %max3A_147 {strides = array<i32>} : memref<320x128xbf16, #tpu.memory_space<vmem>>, vector<32xbf16>,
          %get3A_151 = arith.index_cast %while3A_123 : i32 to index
          %get3A_152 = arith.constant 32 : index
          %get3A_153 = tpu.vector_load %arg8[%get3A_151, %get3A_152] {strides = array<i32>} : memref<64x64xi32, #tpu.memory_space<vmem>>, vector<16xi32>,
          %bitcast3A_154 = vector.bitcast %get3A_153 : vector<16xi32> to vector<32xbf16>
          %get3A_155 = arith.index_cast %squeeze3A_130 : i32 to index
          %get3A_156 = arith.constant 64 : index
          %get3A_157 = tpu.vector_load %arg9[%get3A_155, %get3A_156] {strides = array<i32>} : memref<320x128xbf16, #tpu.memory_space<vmem>>, vector<32xbf16>,
          %max3A_158 = arith.maximumf %get3A_157, %bitcast3A_154 : vector<32xbf16>
          %swap3A_159 = arith.index_cast %squeeze3A_130 : i32 to index
          %swap3A_160 = arith.constant 64 : index
          %swap3A_161 = tpu.vector_load %arg9[%swap3A_159, %swap3A_160] {strides = array<i32>} : memref<320x128xbf16, #tpu.memory_space<vmem>>, vector<32xbf16>,
          tpu.vector_store %arg9[%swap3A_159, %swap3A_160], %max3A_158 {strides = array<i32>} : memref<320x128xbf16, #tpu.memory_space<vmem>>, vector<32xbf16>,
          %get3A_162 = arith.index_cast %while3A_123 : i32 to index
          %get3A_163 = arith.constant 48 : index
          %get3A_164 = tpu.vector_load %arg8[%get3A_162, %get3A_163] {strides = array<i32>} : memref<64x64xi32, #tpu.memory_space<vmem>>, vector<16xi32>,
          %bitcast3A_165 = vector.bitcast %get3A_164 : vector<16xi32> to vector<32xbf16>
          %get3A_166 = arith.index_cast %squeeze3A_130 : i32 to index
          %get3A_167 = arith.constant 96 : index
          %get3A_168 = tpu.vector_load %arg9[%get3A_166, %get3A_167] {strides = array<i32>} : memref<320x128xbf16, #tpu.memory_space<vmem>>, vector<32xbf16>,
          %max3A_169 = arith.maximumf %get3A_168, %bitcast3A_165 : vector<32xbf16>
          %swap3A_170 = arith.index_cast %squeeze3A_130 : i32 to index
          %swap3A_171 = arith.constant 96 : index
          %swap3A_172 = tpu.vector_load %arg9[%swap3A_170, %swap3A_171] {strides = array<i32>} : memref<320x128xbf16, #tpu.memory_space<vmem>>, vector<32xbf16>,
          tpu.vector_store %arg9[%swap3A_170, %swap3A_171], %max3A_169 {strides = array<i32>} : memref<320x128xbf16, #tpu.memory_space<vmem>>, vector<32xbf16>,
          %while3A_173 = arith.constant 0 : i32
          scf.yield %while3A_173 : i32
        }
        %while3A_122 = arith.constant 0 : i32
        scf.yield %while3A_122 : i32
      }
      %while3A_93 = arith.constant 1 : i32
      %while3A_94 = scf.for %while3A_96 = %while3A_90 to %while3A_86 step %while3A_93 iter_args(%while3A_97 = %while3A_92) -> (i32)  : i32 {
        %mul3A_98 = arith.constant 64 : i32
        %mul3A_99 = arith.muli %while3A_96, %mul3A_98 : i32
        %dma_start3A = tpu.memref_slice %arg6[%mul3A_99] : memref<4128xi32, #tpu.memory_space<vmem>> -> memref<64xi32, #tpu.memory_space<vmem>>
        %dma_start3A_100 = arith.constant 0 : i32
        %dma_start3A_101 = arith.constant 0 : i32
        %dma_start3A_102 = tpu.memref_slice %arg10[%dma_start3A_100, %dma_start3A_101] : memref<10000x64xi32, #tpu.memory_space<vmem_shared>> -> memref<10000x64xi32, #tpu.memory_space<vmem_shared>>
        tpu.enqueue_indirect_dma source(%dma_start3A_102 : memref<10000x64xi32, #tpu.memory_space<vmem_shared>>) target(%arg8 : memref<64x64xi32, #tpu.memory_space<vmem>>) offsets(%dma_start3A : memref<64xi32, #tpu.memory_space<vmem>>) semaphore(%arg11 : memref<!tpu.dma_semaphore, #tpu.memory_space<semaphore_mem>>)
        %dma_wait3A = tpu.memref_slice %arg6[%mul3A_99] : memref<4128xi32, #tpu.memory_space<vmem>> -> memref<64xi32, #tpu.memory_space<vmem>>
        %dma_wait3A_103 = arith.constant 0 : i32
        %dma_wait3A_104 = arith.constant 0 : i32
        %dma_wait3A_105 = tpu.memref_slice %arg10[%dma_wait3A_103, %dma_wait3A_104] : memref<10000x64xi32, #tpu.memory_space<vmem_shared>> -> memref<10000x64xi32, #tpu.memory_space<vmem_shared>>
        tpu.wait_indirect_dma semaphore(%arg11 : memref<!tpu.dma_semaphore, #tpu.memory_space<semaphore_mem>>) src(%dma_wait3A_105 : memref<10000x64xi32, #tpu.memory_space<vmem_shared>>) dst(%arg8 : memref<64x64xi32, #tpu.memory_space<vmem>>)
        %mul3A_106 = arith.constant 64 : i32
        %mul3A_107 = arith.muli %while3A_96, %mul3A_106 : i32
        %sub3A_108 = arith.subi %squeeze3A, %mul3A_107 : i32
        %min3A = arith.constant 64 : i32
        %min3A_109 = arith.minsi %sub3A_108, %min3A : i32
        %while3A_110 = arith.constant 0 : i32
        %while3A_111 = arith.constant 0 : i32
        %while3A_112 = arith.subi %min3A_109, %while3A_110 : i32
        %while3A_113 = arith.addi %while3A_110, %while3A_112 : i32
        %while3A_114 = arith.constant 1 : i32
        %while3A_115 = arith.divsi %while3A_112, %while3A_114 : i32
        %while3A_116 = arith.muli %while3A_115, %while3A_114 : i32
        %while3A_117 = arith.addi %while3A_110, %while3A_116 : i32
        %while3A_118 = arith.constant 1 : i32
        %while3A_119 = scf.for %while3A_123 = %while3A_110 to %while3A_117 step %while3A_118 iter_args(%while3A_124 = %while3A_111) -> (i32)  : i32 {
          %mul3A_125 = arith.constant 64 : i32
          %mul3A_126 = arith.muli %while3A_96, %mul3A_125 : i32
          %add3A_127 = arith.addi %mul3A_126, %while3A_123 : i32
          %get3A = arith.index_cast %add3A_127 : i32 to index
          %get3A_128 = tpu.vector_load %arg7[%get3A] {strides = array<i32>} : memref<4128xi32, #tpu.memory_space<vmem>>, vector<16xi32>,
          %slice3A_129 = vector.extract_strided_slice %get3A_128 {offsets = [0], sizes = [1], strides = [1]} : vector<16xi32> to vector<1xi32>
          %squeeze3A_130 = vector.extract %slice3A_129[0] : i32 from vector<1xi32>
          %get3A_131 = arith.index_cast %while3A_123 : i32 to index
          %get3A_132 = arith.constant 0 : index
          %get3A_133 = tpu.vector_load %arg8[%get3A_131, %get3A_132] {strides = array<i32>} : memref<64x64xi32, #tpu.memory_space<vmem>>, vector<16xi32>,
          %bitcast3A = vector.bitcast %get3A_133 : vector<16xi32> to vector<32xbf16>
          %get3A_134 = arith.index_cast %squeeze3A_130 : i32 to index
          %get3A_135 = arith.constant 0 : index
          %get3A_136 = tpu.vector_load %arg9[%get3A_134, %get3A_135] {strides = array<i32>} : memref<320x128xbf16, #tpu.memory_space<vmem>>, vector<32xbf16>,
          %max3A = arith.maximumf %get3A_136, %bitcast3A : vector<32xbf16>
          %swap3A_137 = arith.index_cast %squeeze3A_130 : i32 to index
          %swap3A_138 = arith.constant 0 : index
          %swap3A_139 = tpu.vector_load %arg9[%swap3A_137, %swap3A_138] {strides = array<i32>} : memref<320x128xbf16, #tpu.memory_space<vmem>>, vector<32xbf16>,
          tpu.vector_store %arg9[%swap3A_137, %swap3A_138], %max3A {strides = array<i32>} : memref<320x128xbf16, #tpu.memory_space<vmem>>, vector<32xbf16>,
          %get3A_140 = arith.index_cast %while3A_123 : i32 to index
          %get3A_141 = arith.constant 16 : index
          %get3A_142 = tpu.vector_load %arg8[%get3A_140, %get3A_141] {strides = array<i32>} : memref<64x64xi32, #tpu.memory_space<vmem>>, vector<16xi32>,
          %bitcast3A_143 = vector.bitcast %get3A_142 : vector<16xi32> to vector<32xbf16>
          %get3A_144 = arith.index_cast %squeeze3A_130 : i32 to index
          %get3A_145 = arith.constant 32 : index
          %get3A_146 = tpu.vector_load %arg9[%get3A_144, %get3A_145] {strides = array<i32>} : memref<320x128xbf16, #tpu.memory_space<vmem>>, vector<32xbf16>,
          %max3A_147 = arith.maximumf %get3A_146, %bitcast3A_143 : vector<32xbf16>
          %swap3A_148 = arith.index_cast %squeeze3A_130 : i32 to index
          %swap3A_149 = arith.constant 32 : index
          %swap3A_150 = tpu.vector_load %arg9[%swap3A_148, %swap3A_149] {strides = array<i32>} : memref<320x128xbf16, #tpu.memory_space<vmem>>, vector<32xbf16>,
          tpu.vector_store %arg9[%swap3A_148, %swap3A_149], %max3A_147 {strides = array<i32>} : memref<320x128xbf16, #tpu.memory_space<vmem>>, vector<32xbf16>,
          %get3A_151 = arith.index_cast %while3A_123 : i32 to index
          %get3A_152 = arith.constant 32 : index
          %get3A_153 = tpu.vector_load %arg8[%get3A_151, %get3A_152] {strides = array<i32>} : memref<64x64xi32, #tpu.memory_space<vmem>>, vector<16xi32>,
          %bitcast3A_154 = vector.bitcast %get3A_153 : vector<16xi32> to vector<32xbf16>
          %get3A_155 = arith.index_cast %squeeze3A_130 : i32 to index
          %get3A_156 = arith.constant 64 : index
          %get3A_157 = tpu.vector_load %arg9[%get3A_155, %get3A_156] {strides = array<i32>} : memref<320x128xbf16, #tpu.memory_space<vmem>>, vector<32xbf16>,
          %max3A_158 = arith.maximumf %get3A_157, %bitcast3A_154 : vector<32xbf16>
          %swap3A_159 = arith.index_cast %squeeze3A_130 : i32 to index
          %swap3A_160 = arith.constant 64 : index
          %swap3A_161 = tpu.vector_load %arg9[%swap3A_159, %swap3A_160] {strides = array<i32>} : memref<320x128xbf16, #tpu.memory_space<vmem>>, vector<32xbf16>,
          tpu.vector_store %arg9[%swap3A_159, %swap3A_160], %max3A_158 {strides = array<i32>} : memref<320x128xbf16, #tpu.memory_space<vmem>>, vector<32xbf16>,
          %get3A_162 = arith.index_cast %while3A_123 : i32 to index
          %get3A_163 = arith.constant 48 : index
          %get3A_164 = tpu.vector_load %arg8[%get3A_162, %get3A_163] {strides = array<i32>} : memref<64x64xi32, #tpu.memory_space<vmem>>, vector<16xi32>,
          %bitcast3A_165 = vector.bitcast %get3A_164 : vector<16xi32> to vector<32xbf16>
          %get3A_166 = arith.index_cast %squeeze3A_130 : i32 to index
          %get3A_167 = arith.constant 96 : index
          %get3A_168 = tpu.vector_load %arg9[%get3A_166, %get3A_167] {strides = array<i32>} : memref<320x128xbf16, #tpu.memory_space<vmem>>, vector<32xbf16>,
          %max3A_169 = arith.maximumf %get3A_168, %bitcast3A_165 : vector<32xbf16>
          %swap3A_170 = arith.index_cast %squeeze3A_130 : i32 to index
          %swap3A_171 = arith.constant 96 : index
          %swap3A_172 = tpu.vector_load %arg9[%swap3A_170, %swap3A_171] {strides = array<i32>} : memref<320x128xbf16, #tpu.memory_space<vmem>>, vector<32xbf16>,
          tpu.vector_store %arg9[%swap3A_170, %swap3A_171], %max3A_169 {strides = array<i32>} : memref<320x128xbf16, #tpu.memory_space<vmem>>, vector<32xbf16>,
          %while3A_173 = arith.constant 0 : i32
          scf.yield %while3A_173 : i32
        }
        %while3A_120 = arith.constant 1 : i32
        %while3A_121 = scf.for %while3A_123 = %while3A_117 to %while3A_113 step %while3A_120 iter_args(%while3A_124 = %while3A_119) -> (i32)  : i32 {
          %mul3A_125 = arith.constant 64 : i32
          %mul3A_126 = arith.muli %while3A_96, %mul3A_125 : i32
          %add3A_127 = arith.addi %mul3A_126, %while3A_123 : i32
          %get3A = arith.index_cast %add3A_127 : i32 to index
          %get3A_128 = tpu.vector_load %arg7[%get3A] {strides = array<i32>} : memref<4128xi32, #tpu.memory_space<vmem>>, vector<16xi32>,
          %slice3A_129 = vector.extract_strided_slice %get3A_128 {offsets = [0], sizes = [1], strides = [1]} : vector<16xi32> to vector<1xi32>
          %squeeze3A_130 = vector.extract %slice3A_129[0] : i32 from vector<1xi32>
          %get3A_131 = arith.index_cast %while3A_123 : i32 to index
          %get3A_132 = arith.constant 0 : index
          %get3A_133 = tpu.vector_load %arg8[%get3A_131, %get3A_132] {strides = array<i32>} : memref<64x64xi32, #tpu.memory_space<vmem>>, vector<16xi32>,
          %bitcast3A = vector.bitcast %get3A_133 : vector<16xi32> to vector<32xbf16>
          %get3A_134 = arith.index_cast %squeeze3A_130 : i32 to index
          %get3A_135 = arith.constant 0 : index
          %get3A_136 = tpu.vector_load %arg9[%get3A_134, %get3A_135] {strides = array<i32>} : memref<320x128xbf16, #tpu.memory_space<vmem>>, vector<32xbf16>,
          %max3A = arith.maximumf %get3A_136, %bitcast3A : vector<32xbf16>
          %swap3A_137 = arith.index_cast %squeeze3A_130 : i32 to index
          %swap3A_138 = arith.constant 0 : index
          %swap3A_139 = tpu.vector_load %arg9[%swap3A_137, %swap3A_138] {strides = array<i32>} : memref<320x128xbf16, #tpu.memory_space<vmem>>, vector<32xbf16>,
          tpu.vector_store %arg9[%swap3A_137, %swap3A_138], %max3A {strides = array<i32>} : memref<320x128xbf16, #tpu.memory_space<vmem>>, vector<32xbf16>,
          %get3A_140 = arith.index_cast %while3A_123 : i32 to index
          %get3A_141 = arith.constant 16 : index
          %get3A_142 = tpu.vector_load %arg8[%get3A_140, %get3A_141] {strides = array<i32>} : memref<64x64xi32, #tpu.memory_space<vmem>>, vector<16xi32>,
          %bitcast3A_143 = vector.bitcast %get3A_142 : vector<16xi32> to vector<32xbf16>
          %get3A_144 = arith.index_cast %squeeze3A_130 : i32 to index
          %get3A_145 = arith.constant 32 : index
          %get3A_146 = tpu.vector_load %arg9[%get3A_144, %get3A_145] {strides = array<i32>} : memref<320x128xbf16, #tpu.memory_space<vmem>>, vector<32xbf16>,
          %max3A_147 = arith.maximumf %get3A_146, %bitcast3A_143 : vector<32xbf16>
          %swap3A_148 = arith.index_cast %squeeze3A_130 : i32 to index
          %swap3A_149 = arith.constant 32 : index
          %swap3A_150 = tpu.vector_load %arg9[%swap3A_148, %swap3A_149] {strides = array<i32>} : memref<320x128xbf16, #tpu.memory_space<vmem>>, vector<32xbf16>,
          tpu.vector_store %arg9[%swap3A_148, %swap3A_149], %max3A_147 {strides = array<i32>} : memref<320x128xbf16, #tpu.memory_space<vmem>>, vector<32xbf16>,
          %get3A_151 = arith.index_cast %while3A_123 : i32 to index
          %get3A_152 = arith.constant 32 : index
          %get3A_153 = tpu.vector_load %arg8[%get3A_151, %get3A_152] {strides = array<i32>} : memref<64x64xi32, #tpu.memory_space<vmem>>, vector<16xi32>,
          %bitcast3A_154 = vector.bitcast %get3A_153 : vector<16xi32> to vector<32xbf16>
          %get3A_155 = arith.index_cast %squeeze3A_130 : i32 to index
          %get3A_156 = arith.constant 64 : index
          %get3A_157 = tpu.vector_load %arg9[%get3A_155, %get3A_156] {strides = array<i32>} : memref<320x128xbf16, #tpu.memory_space<vmem>>, vector<32xbf16>,
          %max3A_158 = arith.maximumf %get3A_157, %bitcast3A_154 : vector<32xbf16>
          %swap3A_159 = arith.index_cast %squeeze3A_130 : i32 to index
          %swap3A_160 = arith.constant 64 : index
          %swap3A_161 = tpu.vector_load %arg9[%swap3A_159, %swap3A_160] {strides = array<i32>} : memref<320x128xbf16, #tpu.memory_space<vmem>>, vector<32xbf16>,
          tpu.vector_store %arg9[%swap3A_159, %swap3A_160], %max3A_158 {strides = array<i32>} : memref<320x128xbf16, #tpu.memory_space<vmem>>, vector<32xbf16>,
          %get3A_162 = arith.index_cast %while3A_123 : i32 to index
          %get3A_163 = arith.constant 48 : index
          %get3A_164 = tpu.vector_load %arg8[%get3A_162, %get3A_163] {strides = array<i32>} : memref<64x64xi32, #tpu.memory_space<vmem>>, vector<16xi32>,
          %bitcast3A_165 = vector.bitcast %get3A_164 : vector<16xi32> to vector<32xbf16>
          %get3A_166 = arith.index_cast %squeeze3A_130 : i32 to index
          %get3A_167 = arith.constant 96 : index
          %get3A_168 = tpu.vector_load %arg9[%get3A_166, %get3A_167] {strides = array<i32>} : memref<320x128xbf16, #tpu.memory_space<vmem>>, vector<32xbf16>,
          %max3A_169 = arith.maximumf %get3A_168, %bitcast3A_165 : vector<32xbf16>
          %swap3A_170 = arith.index_cast %squeeze3A_130 : i32 to index
          %swap3A_171 = arith.constant 96 : index
          %swap3A_172 = tpu.vector_load %arg9[%swap3A_170, %swap3A_171] {strides = array<i32>} : memref<320x128xbf16, #tpu.memory_space<vmem>>, vector<32xbf16>,
          tpu.vector_store %arg9[%swap3A_170, %swap3A_171], %max3A_169 {strides = array<i32>} : memref<320x128xbf16, #tpu.memory_space<vmem>>, vector<32xbf16>,
          %while3A_173 = arith.constant 0 : i32
          scf.yield %while3A_173 : i32
        }
        %while3A_122 = arith.constant 0 : i32
        scf.yield %while3A_122 : i32
      }
      %scan3A_95 = arith.constant 0 : i32
      scf.yield %scan3A_95 : i32
    }
    %scan3A_24 = arith.constant 80 : i32
    "tpu.region"() ({
      %run_scoped3A = tpu.sem_alloc : memref<!tpu.dma_semaphore, #tpu.memory_space<semaphore_mem>>
      %dma_start3A = arith.constant 0 : i32
      %dma_start3A_25 = tpu.memref_slice %arg4[%mul3A_2, %dma_start3A] : memref<10240x128xbf16, #tpu.memory_space<hbm>> -> memref<320x128xbf16, #tpu.memory_space<hbm>>
      %dma_start3A_26 = arith.constant 0 : i32
      %dma_start3A_27 = tpu.memref_slice %arg4[%mul3A_2, %dma_start3A_26] : memref<10240x128xbf16, #tpu.memory_space<hbm>> -> memref<320x128xbf16, #tpu.memory_space<hbm>>
      tpu.enqueue_dma source(%arg9 : memref<320x128xbf16, #tpu.memory_space<vmem>>) target(%dma_start3A_27 : memref<320x128xbf16, #tpu.memory_space<hbm>>) target_semaphore(%run_scoped3A : memref<!tpu.dma_semaphore, #tpu.memory_space<semaphore_mem>>)
      %dma_wait3A = arith.constant 0 : i32
      %dma_wait3A_28 = tpu.memref_slice %arg4[%mul3A_2, %dma_wait3A] : memref<10240x128xbf16, #tpu.memory_space<hbm>> -> memref<320x128xbf16, #tpu.memory_space<hbm>>
      %dma_wait3A_29 = arith.constant 0 : i32
      %dma_wait3A_30 = tpu.memref_slice %arg4[%mul3A_2, %dma_wait3A_29] : memref<10240x128xbf16, #tpu.memory_space<hbm>> -> memref<320x128xbf16, #tpu.memory_space<hbm>>
      tpu.wait_dma2 semaphore(%run_scoped3A : memref<!tpu.dma_semaphore, #tpu.memory_space<semaphore_mem>>) src(%arg9 : memref<320x128xbf16, #tpu.memory_space<vmem>>) dst(%dma_wait3A_30 : memref<320x128xbf16, #tpu.memory_space<hbm>>)
      tpu.yield
    }) : () -> ()
    return
  }
}

module attributes {stable_mosaic.version = 14 : i64} {
  func.func @_dense_body(%arg0: i32, %arg1: memref<2000x128xf32, #tpu.memory_space<vmem>>, %arg2: memref<128x128xf32, #tpu.memory_space<vmem>>, %arg3: memref<128xf32, #tpu.memory_space<vmem>>, %arg4: memref<2000x128xbf16, #tpu.memory_space<vmem>>) attributes {dimension_semantics = [#tpu.dimension_semantics<arbitrary>], iteration_bounds = array<i64: 5>, scalar_prefetch = 0 : i64, scratch_operands = 0 : i64, tpu.core_type = #tpu.core_type<tc>, window_params = [{transform_indices = @transform_0, window_bounds = array<i64: 2000, 128>}, {pipeline_mode = #tpu.pipeline_mode<synchronous>, transform_indices = @transform_1, window_bounds = array<i64: 128, 128>}, {pipeline_mode = #tpu.pipeline_mode<synchronous>, transform_indices = @transform_2, window_bounds = array<i64: 128>}, {transform_indices = @transform_3, window_bounds = array<i64: 2000, 128>}]} {
    %get3A = arith.constant 0 : index
    %get3A_0 = arith.constant 0 : index
    %get3A_1 = vector.load %arg1[%get3A, %get3A_0] : memref<2000x128xf32, #tpu.memory_space<vmem>>, vector<2000x128xf32>
    %get3A_2 = arith.constant 0 : index
    %get3A_3 = arith.constant 0 : index
    %get3A_4 = vector.load %arg2[%get3A_2, %get3A_3] : memref<128x128xf32, #tpu.memory_space<vmem>>, vector<128x128xf32>
    %dot_general3A = arith.constant dense<0.000000e+00> : vector<2000x128xf32>
    %dot_general3A_5 = tpu.matmul %get3A_1, %get3A_4, %dot_general3A {dimension_numbers = #tpu.dot_dimension_numbers<[1], [0], [0], [1], [0, 0, 1, 1], [], []>, transpose_lhs_hint = false} : vector<2000x128xf32>, vector<128x128xf32>, vector<2000x128xf32> -> vector<2000x128xf32>
    %get3A_6 = arith.constant 0 : index
    %get3A_7 = vector.load %arg3[%get3A_6] : memref<128xf32, #tpu.memory_space<vmem>>, vector<128xf32>
    %broadcast_in_dim3A = vector.shape_cast %get3A_7 : vector<128xf32> to vector<1x128xf32>
    %add3A = vector.broadcast %broadcast_in_dim3A : vector<1x128xf32> to vector<2000x128xf32>
    %add3A_8 = arith.addf %dot_general3A_5, %add3A : vector<2000x128xf32>
    %max3A = arith.constant 0.000000e+00 : f32
    %max3A_9 = vector.broadcast %max3A : f32 to vector<2000x128xf32>
    %max3A_10 = arith.maximumf %add3A_8, %max3A_9 : vector<2000x128xf32>
    %convert_element_type3A = arith.truncf %max3A_10 : vector<2000x128xf32> to vector<2000x128xbf16>
    %swap3A = arith.constant 0 : index
    %swap3A_11 = arith.constant 0 : index
    %swap3A_12 = vector.load %arg4[%swap3A, %swap3A_11] : memref<2000x128xbf16, #tpu.memory_space<vmem>>, vector<2000x128xbf16>
    tpu.vector_store %arg4[%swap3A, %swap3A_11], %convert_element_type3A {strides = array<i32>} : memref<2000x128xbf16, #tpu.memory_space<vmem>>, vector<2000x128xbf16>,
    return
  }
  func.func @transform_0(%arg0: i32) -> (i32, i32) {
    %c0_i32 = arith.constant 0 : i32
    %c0_i32_0 = arith.constant 0 : i32
    return %arg0, %c0_i32 : i32, i32
  }
  func.func @transform_1(%arg0: i32) -> (i32, i32) {
    %c0_i32 = arith.constant 0 : i32
    %c0_i32_0 = arith.constant 0 : i32
    %c0_i32_1 = arith.constant 0 : i32
    return %c0_i32, %c0_i32_0 : i32, i32
  }
  func.func @transform_2(%arg0: i32) -> i32 {
    %c0_i32 = arith.constant 0 : i32
    %c0_i32_0 = arith.constant 0 : i32
    return %c0_i32 : i32
  }
  func.func @transform_3(%arg0: i32) -> (i32, i32) {
    %c0_i32 = arith.constant 0 : i32
    %c0_i32_0 = arith.constant 0 : i32
    return %arg0, %c0_i32 : i32, i32
  }
}

module attributes {stable_mosaic.version = 14 : i64} {
  func.func @_sage_tail_body(%arg0: i32, %arg1: memref<2000x128xf32, #tpu.memory_space<vmem>>, %arg2: memref<128x128xf32, #tpu.memory_space<vmem>>, %arg3: memref<128xf32, #tpu.memory_space<vmem>>, %arg4: memref<2000x128xf32, #tpu.memory_space<vmem>>, %arg5: memref<128x128xf32, #tpu.memory_space<vmem>>, %arg6: memref<2000x128xf32, #tpu.memory_space<vmem>>) attributes {dimension_semantics = [#tpu.dimension_semantics<arbitrary>], iteration_bounds = array<i64: 5>, scalar_prefetch = 0 : i64, scratch_operands = 0 : i64, tpu.core_type = #tpu.core_type<tc>, window_params = [{transform_indices = @transform_0, window_bounds = array<i64: 2000, 128>}, {pipeline_mode = #tpu.pipeline_mode<synchronous>, transform_indices = @transform_1, window_bounds = array<i64: 128, 128>}, {pipeline_mode = #tpu.pipeline_mode<synchronous>, transform_indices = @transform_2, window_bounds = array<i64: 128>}, {transform_indices = @transform_3, window_bounds = array<i64: 2000, 128>}, {pipeline_mode = #tpu.pipeline_mode<synchronous>, transform_indices = @transform_4, window_bounds = array<i64: 128, 128>}, {transform_indices = @transform_5, window_bounds = array<i64: 2000, 128>}]} {
    %get3A = arith.constant 0 : index
    %get3A_0 = arith.constant 0 : index
    %get3A_1 = vector.load %arg1[%get3A, %get3A_0] : memref<2000x128xf32, #tpu.memory_space<vmem>>, vector<2000x128xf32>
    %get3A_2 = arith.constant 0 : index
    %get3A_3 = arith.constant 0 : index
    %get3A_4 = vector.load %arg2[%get3A_2, %get3A_3] : memref<128x128xf32, #tpu.memory_space<vmem>>, vector<128x128xf32>
    %dot_general3A = arith.constant dense<0.000000e+00> : vector<2000x128xf32>
    %dot_general3A_5 = tpu.matmul %get3A_1, %get3A_4, %dot_general3A {dimension_numbers = #tpu.dot_dimension_numbers<[1], [0], [0], [1], [0, 0, 1, 1], [], []>, transpose_lhs_hint = false} : vector<2000x128xf32>, vector<128x128xf32>, vector<2000x128xf32> -> vector<2000x128xf32>
    %get3A_6 = arith.constant 0 : index
    %get3A_7 = vector.load %arg3[%get3A_6] : memref<128xf32, #tpu.memory_space<vmem>>, vector<128xf32>
    %broadcast_in_dim3A = vector.shape_cast %get3A_7 : vector<128xf32> to vector<1x128xf32>
    %add3A = vector.broadcast %broadcast_in_dim3A : vector<1x128xf32> to vector<2000x128xf32>
    %add3A_8 = arith.addf %dot_general3A_5, %add3A : vector<2000x128xf32>
    %get3A_9 = arith.constant 0 : index
    %get3A_10 = arith.constant 0 : index
    %get3A_11 = vector.load %arg4[%get3A_9, %get3A_10] : memref<2000x128xf32, #tpu.memory_space<vmem>>, vector<2000x128xf32>
    %get3A_12 = arith.constant 0 : index
    %get3A_13 = arith.constant 0 : index
    %get3A_14 = vector.load %arg5[%get3A_12, %get3A_13] : memref<128x128xf32, #tpu.memory_space<vmem>>, vector<128x128xf32>
    %dot_general3A_15 = arith.constant dense<0.000000e+00> : vector<2000x128xf32>
    %dot_general3A_16 = tpu.matmul %get3A_11, %get3A_14, %dot_general3A_15 {dimension_numbers = #tpu.dot_dimension_numbers<[1], [0], [0], [1], [0, 0, 1, 1], [], []>, transpose_lhs_hint = false} : vector<2000x128xf32>, vector<128x128xf32>, vector<2000x128xf32> -> vector<2000x128xf32>
    %add3A_17 = arith.addf %add3A_8, %dot_general3A_16 : vector<2000x128xf32>
    %ge3A = arith.constant 0.000000e+00 : f32
    %ge3A_18 = vector.broadcast %ge3A : f32 to vector<2000x128xf32>
    %ge3A_19 = arith.cmpf oge, %add3A_17, %ge3A_18 : vector<2000x128xf32>
    %mul3A = arith.constant 0.00999999977 : f32
    %mul3A_20 = vector.broadcast %mul3A : f32 to vector<2000x128xf32>
    %mul3A_21 = arith.mulf %mul3A_20, %add3A_17 : vector<2000x128xf32>
    %select_n3A = arith.select %ge3A_19, %add3A_17, %mul3A_21 : vector<2000x128xi1>, vector<2000x128xf32>
    %swap3A = arith.constant 0 : index
    %swap3A_22 = arith.constant 0 : index
    %swap3A_23 = vector.load %arg6[%swap3A, %swap3A_22] : memref<2000x128xf32, #tpu.memory_space<vmem>>, vector<2000x128xf32>
    tpu.vector_store %arg6[%swap3A, %swap3A_22], %select_n3A {strides = array<i32>} : memref<2000x128xf32, #tpu.memory_space<vmem>>, vector<2000x128xf32>,
    return
  }
  func.func @transform_0(%arg0: i32) -> (i32, i32) {
    %c0_i32 = arith.constant 0 : i32
    %c0_i32_0 = arith.constant 0 : i32
    return %arg0, %c0_i32 : i32, i32
  }
  func.func @transform_1(%arg0: i32) -> (i32, i32) {
    %c0_i32 = arith.constant 0 : i32
    %c0_i32_0 = arith.constant 0 : i32
    %c0_i32_1 = arith.constant 0 : i32
    return %c0_i32, %c0_i32_0 : i32, i32
  }
  func.func @transform_2(%arg0: i32) -> i32 {
    %c0_i32 = arith.constant 0 : i32
    %c0_i32_0 = arith.constant 0 : i32
    return %c0_i32 : i32
  }
  func.func @transform_3(%arg0: i32) -> (i32, i32) {
    %c0_i32 = arith.constant 0 : i32
    %c0_i32_0 = arith.constant 0 : i32
    return %arg0, %c0_i32 : i32, i32
  }
  func.func @transform_4(%arg0: i32) -> (i32, i32) {
    %c0_i32 = arith.constant 0 : i32
    %c0_i32_0 = arith.constant 0 : i32
    %c0_i32_1 = arith.constant 0 : i32
    return %c0_i32, %c0_i32_0 : i32, i32
  }
  func.func @transform_5(%arg0: i32) -> (i32, i32) {
    %c0_i32 = arith.constant 0 : i32
    %c0_i32_0 = arith.constant 0 : i32
    return %arg0, %c0_i32 : i32, i32
  }
}

module attributes {stable_mosaic.version = 14 : i64} {
  func.func @_head_body(%arg0: i32, %arg1: memref<2000x128xf32, #tpu.memory_space<vmem>>, %arg2: memref<128x128xf32, #tpu.memory_space<vmem>>, %arg3: memref<128xf32, #tpu.memory_space<vmem>>, %arg4: memref<128x16xf32, #tpu.memory_space<vmem>>, %arg5: memref<16xf32, #tpu.memory_space<vmem>>, %arg6: memref<2000x16xf32, #tpu.memory_space<vmem>>) attributes {dimension_semantics = [#tpu.dimension_semantics<arbitrary>], iteration_bounds = array<i64: 5>, scalar_prefetch = 0 : i64, scratch_operands = 0 : i64, tpu.core_type = #tpu.core_type<tc>, window_params = [{transform_indices = @transform_0, window_bounds = array<i64: 2000, 128>}, {pipeline_mode = #tpu.pipeline_mode<synchronous>, transform_indices = @transform_1, window_bounds = array<i64: 128, 128>}, {pipeline_mode = #tpu.pipeline_mode<synchronous>, transform_indices = @transform_2, window_bounds = array<i64: 128>}, {pipeline_mode = #tpu.pipeline_mode<synchronous>, transform_indices = @transform_3, window_bounds = array<i64: 128, 16>}, {pipeline_mode = #tpu.pipeline_mode<synchronous>, transform_indices = @transform_4, window_bounds = array<i64: 16>}, {transform_indices = @transform_5, window_bounds = array<i64: 2000, 16>}]} {
    %get3A = arith.constant 0 : index
    %get3A_0 = arith.constant 0 : index
    %get3A_1 = vector.load %arg1[%get3A, %get3A_0] : memref<2000x128xf32, #tpu.memory_space<vmem>>, vector<2000x128xf32>
    %get3A_2 = arith.constant 0 : index
    %get3A_3 = arith.constant 0 : index
    %get3A_4 = vector.load %arg2[%get3A_2, %get3A_3] : memref<128x128xf32, #tpu.memory_space<vmem>>, vector<128x128xf32>
    %dot_general3A = arith.constant dense<0.000000e+00> : vector<2000x128xf32>
    %dot_general3A_5 = tpu.matmul %get3A_1, %get3A_4, %dot_general3A {dimension_numbers = #tpu.dot_dimension_numbers<[1], [0], [0], [1], [0, 0, 1, 1], [], []>, transpose_lhs_hint = false} : vector<2000x128xf32>, vector<128x128xf32>, vector<2000x128xf32> -> vector<2000x128xf32>
    %get3A_6 = arith.constant 0 : index
    %get3A_7 = vector.load %arg3[%get3A_6] : memref<128xf32, #tpu.memory_space<vmem>>, vector<128xf32>
    %broadcast_in_dim3A = vector.shape_cast %get3A_7 : vector<128xf32> to vector<1x128xf32>
    %add3A = vector.broadcast %broadcast_in_dim3A : vector<1x128xf32> to vector<2000x128xf32>
    %add3A_8 = arith.addf %dot_general3A_5, %add3A : vector<2000x128xf32>
    %ge3A = arith.constant 0.000000e+00 : f32
    %ge3A_9 = vector.broadcast %ge3A : f32 to vector<2000x128xf32>
    %ge3A_10 = arith.cmpf oge, %add3A_8, %ge3A_9 : vector<2000x128xf32>
    %mul3A = arith.constant 0.00999999977 : f32
    %mul3A_11 = vector.broadcast %mul3A : f32 to vector<2000x128xf32>
    %mul3A_12 = arith.mulf %mul3A_11, %add3A_8 : vector<2000x128xf32>
    %select_n3A = arith.select %ge3A_10, %add3A_8, %mul3A_12 : vector<2000x128xi1>, vector<2000x128xf32>
    %get3A_13 = arith.constant 0 : index
    %get3A_14 = arith.constant 0 : index
    %get3A_15 = vector.load %arg4[%get3A_13, %get3A_14] : memref<128x16xf32, #tpu.memory_space<vmem>>, vector<128x16xf32>
    %dot_general3A_16 = arith.constant dense<0.000000e+00> : vector<2000x16xf32>
    %dot_general3A_17 = tpu.matmul %select_n3A, %get3A_15, %dot_general3A_16 {dimension_numbers = #tpu.dot_dimension_numbers<[1], [0], [0], [1], [0, 0, 1, 1], [], []>, transpose_lhs_hint = false} : vector<2000x128xf32>, vector<128x16xf32>, vector<2000x16xf32> -> vector<2000x16xf32>
    %get3A_18 = arith.constant 0 : index
    %get3A_19 = vector.load %arg5[%get3A_18] : memref<16xf32, #tpu.memory_space<vmem>>, vector<16xf32>
    %broadcast_in_dim3A_20 = vector.shape_cast %get3A_19 : vector<16xf32> to vector<1x16xf32>
    %add3A_21 = vector.broadcast %broadcast_in_dim3A_20 : vector<1x16xf32> to vector<2000x16xf32>
    %add3A_22 = arith.addf %dot_general3A_17, %add3A_21 : vector<2000x16xf32>
    %logistic3A = arith.negf %add3A_22 : vector<2000x16xf32>
    %logistic3A_23 = math.exp %logistic3A : vector<2000x16xf32>
    %logistic3A_24 = arith.constant 1.000000e+00 : f32
    %logistic3A_25 = vector.broadcast %logistic3A_24 : f32 to vector<2000x16xf32>
    %logistic3A_26 = arith.addf %logistic3A_25, %logistic3A_23 : vector<2000x16xf32>
    %logistic3A_27 = arith.divf %logistic3A_25, %logistic3A_26 : vector<2000x16xf32>
    %swap3A = arith.constant 0 : index
    %swap3A_28 = arith.constant 0 : index
    %swap3A_29 = vector.load %arg6[%swap3A, %swap3A_28] : memref<2000x16xf32, #tpu.memory_space<vmem>>, vector<2000x16xf32>
    tpu.vector_store %arg6[%swap3A, %swap3A_28], %logistic3A_27 {strides = array<i32>} : memref<2000x16xf32, #tpu.memory_space<vmem>>, vector<2000x16xf32>,
    return
  }
  func.func @transform_0(%arg0: i32) -> (i32, i32) {
    %c0_i32 = arith.constant 0 : i32
    %c0_i32_0 = arith.constant 0 : i32
    return %arg0, %c0_i32 : i32, i32
  }
  func.func @transform_1(%arg0: i32) -> (i32, i32) {
    %c0_i32 = arith.constant 0 : i32
    %c0_i32_0 = arith.constant 0 : i32
    %c0_i32_1 = arith.constant 0 : i32
    return %c0_i32, %c0_i32_0 : i32, i32
  }
  func.func @transform_2(%arg0: i32) -> i32 {
    %c0_i32 = arith.constant 0 : i32
    %c0_i32_0 = arith.constant 0 : i32
    return %c0_i32 : i32
  }
  func.func @transform_3(%arg0: i32) -> (i32, i32) {
    %c0_i32 = arith.constant 0 : i32
    %c0_i32_0 = arith.constant 0 : i32
    %c0_i32_1 = arith.constant 0 : i32
    return %c0_i32, %c0_i32_0 : i32, i32
  }
  func.func @transform_4(%arg0: i32) -> i32 {
    %c0_i32 = arith.constant 0 : i32
    %c0_i32_0 = arith.constant 0 : i32
    return %c0_i32 : i32
  }
  func.func @transform_5(%arg0: i32) -> (i32, i32) {
    %c0_i32 = arith.constant 0 : i32
    %c0_i32_0 = arith.constant 0 : i32
    return %arg0, %c0_i32 : i32, i32
  }
}

</mosaic_0001>

<sc_bundles>
// kernel: kernel.12.cloned.1.call-start
scs
__scs_entry_jumppad:
0x0: {  	(pc) =	sbr.rel $0x88, $3  }
0x1: {  	(tag) =	ssettag $0x0;
	lr =	simm.s32 $0x1  }
0x2: {  	[smem:$0x3F91] =	sst lr;
	_ =	strace $0xD0000000  }
0x3: {  	_ = 	snop  }
0x4: {  	_ = 	snop  }
0x5: {  	_ = 	snop  }
0x6: {  	_ = 	snop  }
0x7: {  	_ = 	snop  }
__scs_overlays_trampoline_lowered:
0x8: {  	[smem:$0x3FA0] =	sst s0  }
0x9: {  	[smem:$0x3FA1] =	sst s1  }
0xa: {  	[smem:$0x3FA2] =	sst s2  }
0xb: {  	[smem:$0x3FA3] =	sst s3  }
0xc: {  	[smem:$0x3FA4] =	sst s4  }
0xd: {  	[smem:$0x3FA5] =	sst s5  }
0xe: {  	[smem:$0x3FA6] =	sst s6  }
0xf: {  	[smem:$0x3FA7] =	sst s7  }
0x10: {  	[smem:$0x3FA8] =	sst s8  }
0x11: {  	[smem:$0x3FA9] =	sst s9;
	s0 =	simm.s32 @!p0 $0x0  }
0x12: {  	s1 =	sld [smem:$0x3F8F];
	s0 =	simm.s32 @p0 $0x1  }
0x13: {  	[smem:$0x3FAA] =	sst s0;
	s0 =	simm.s32 @!p1 $0x0  }
0x14: {  	s2 =	sld [smem:$0x3F8E];
	s0 =	simm.s32 @p1 $0x1  }
0x15: {  	[smem:$0x3FAB] =	sst s0;
	s0 =	simm.s32 @!p2 $0x0  }
0x16: {  	s3 =	sld [smem:$0x3FDB];
	s0 =	simm.s32 @p2 $0x1  }
0x17: {  	s4 =	simm.s32 $0x1BF5;
	[smem:$0x3FAD] =	sst s0  }
0x18: {  	s0 =	sld [smem:$0x3F90];
	_ =	swait.ge [sflag:s4], $0x0  }
0x19: {  	s7 =	sld [smem:$0x3F91]  }
0x1a: {  	s8 =	sadd.s32 $0xFFFFE003, lr  }
0x1b: {  	s9 =	sadd.s32 $0xFFFFFEF7, lr;
	s5 =	simm.s32 $0xFFFFFFFF;
	p2 =	slt.u32 s8, $0xFFFFF086  }
0x1c: {  	p1 =	slt.u32 s9, $0xF7A;
	s5 =	simm.s32 @!p2 $0x0  }
0x1d: {  	s5 =	simm.s32 @p1 $0x1;
	p0 =	seq.s32 s7, s2  }
0x1e: {  	s7 =	smul.u32 @!p0 $0xF7A, s2;
	p2 =	seq.s32 @!p0 s5, $0x0  }
0x1f: {  	s9 =	smul.u32 $0xF7A, s1;
	s8 =	simm.s32 @!p0 $0x1BF5;
	p2 =	por !p2, p0  }
0x20: {  	[sflag:s8] =	ssyncset.s32 @!p0 $0xFFFFF086;
	s6 =	sadd.s32 @!p0 s3, s7;
	s7 =	simm.s32 @!p0 $0x108  }
0x21: {  	s3 =	sadd.s32 s3, s9;
	s6 =	sadd.s32 @!p0 $0x88, s6;
	s7 =	simm.s32 @p2 $0x1082  }
0x22: {  	[simem:s7], [sflag:s8] =	dma.local @!p0 [hbm:s6], $0xF7A  }
0x23: {  	s9 =	sor.u32 $0xD0000000, s2;
	s6 =	simm.s32 $0x108;
	_ =	swait.ge @!p0 [sflag:s8], $0x0  }
0x24: {  	s3 =	sadd.s32 $0x88, s3;
	s6 =	simm.s32 @!p1 $0x1082;
	[sflag:s4] =	ssyncset.s32 $0xFFFFF086  }
0x25: {  	[simem:s6], [sflag:s4] =	dma.local [hbm:s3], $0xF7A  }
0x26: {  	[smem:$0x3F91] =	sst s1;
	(tag) =	ssettag s2;
	_ =	strace s9  }
0x27: {  	s1 =	sld [smem:$0x3FA1]  }
0x28: {  	s2 =	sld [smem:$0x3FA2]  }
0x29: {  	s4 =	sld [smem:$0x3FA4]  }
0x2a: {  	p0 =	seq.s32 s5, $0x0;
	s5 =	sld [smem:$0x3FA5]  }
0x2b: {  	s6 =	sld [smem:$0x3FA6]  }
0x2c: {  	s7 =	sld [smem:$0x3FA7]  }
0x2d: {  	s3 =	simm.s32 $0x108;
	s8 =	sld [smem:$0x3FA8]  }
0x2e: {  	s3 =	simm.s32 @!p0 $0x1082;
	s9 =	sld [smem:$0x3FA9]  }
0x2f: {  	lr =	sadd.s32 s0, s3;
	s0 =	sld [smem:$0x3FA0]  }
0x30: {  	s3 =	sld [smem:$0x3FA3]  }
0x31: {  	[smem:$0x3FAC] =	sst s10  }
0x32: {  	s10 =	sld [smem:$0x3FAA];
	_ =	sdelay $0x3  }
0x33: {  	p0 =	seq.s32 s10, $0x1;
	s10 =	sld [smem:$0x3FAC];
	_ =	sdelay $0x3  }
0x34: {  	[smem:$0x3FAC] =	sst s10  }
0x35: {  	s10 =	sld [smem:$0x3FAB];
	_ =	sdelay $0x3  }
0x36: {  	p1 =	seq.s32 s10, $0x1;
	s10 =	sld [smem:$0x3FAC];
	_ =	sdelay $0x3  }
0x37: {  	[smem:$0x3FAC] =	sst s10  }
0x38: {  	s10 =	sld [smem:$0x3FAD]  }
0x39: {  	_ = 	snop;
	(pc) =	sbr.ind lr, $3  }
0x3a: {  	_ = 	snop  }
0x3b: {  	_ = 	snop  }
0x3c: {  	p2 =	seq.s32 s10, $0x1;
	s10 =	sld [smem:$0x3FAC]  }
0x3d: {  	_ =	shalt  }
0x3e: {  	_ =	shalt  }
0x3f: {  	_ =	shalt  }
0x40: {  	_ =	shalt  }
0x41: {  	_ =	shalt  }
0x42: {  	_ =	shalt  }
0x43: {  	_ =	shalt  }
0x44: {  	_ =	shalt  }
0x45: {  	_ =	shalt  }
0x46: {  	_ =	shalt  }
0x47: {  	_ =	shalt  }
0x48: {  	_ =	shalt  }
0x49: {  	_ =	shalt  }
0x4a: {  	_ =	shalt  }
0x4b: {  	_ =	shalt  }
0x4c: {  	_ =	shalt  }
0x4d: {  	_ =	shalt  }
0x4e: {  	_ =	shalt  }
0x4f: {  	_ =	shalt  }
0x50: {  	_ =	shalt  }
0x51: {  	_ =	shalt  }
0x52: {  	_ =	shalt  }
0x53: {  	_ =	shalt  }
0x54: {  	_ =	shalt  }
0x55: {  	_ =	shalt  }
0x56: {  	_ =	shalt  }
0x57: {  	_ =	shalt  }
0x58: {  	_ =	shalt  }
0x59: {  	_ =	shalt  }
0x5a: {  	_ =	shalt  }
0x5b: {  	_ =	shalt  }
0x5c: {  	_ =	shalt  }
0x5d: {  	_ =	shalt  }
0x5e: {  	_ =	shalt  }
0x5f: {  	_ =	shalt  }
0x60: {  	_ =	shalt  }
0x61: {  	_ =	shalt  }
0x62: {  	_ =	shalt  }
0x63: {  	_ =	shalt  }
0x64: {  	_ =	shalt  }
0x65: {  	_ =	shalt  }
0x66: {  	_ =	shalt  }
0x67: {  	_ =	shalt  }
0x68: {  	_ =	shalt  }
0x69: {  	_ =	shalt  }
0x6a: {  	_ =	shalt  }
0x6b: {  	_ =	shalt  }
0x6c: {  	_ =	shalt  }
0x6d: {  	_ =	shalt  }
0x6e: {  	_ =	shalt  }
0x6f: {  	_ =	shalt  }
0x70: {  	_ =	shalt  }
0x71: {  	_ =	shalt  }
0x72: {  	_ =	shalt  }
0x73: {  	_ =	shalt  }
0x74: {  	_ =	shalt  }
0x75: {  	_ =	shalt  }
0x76: {  	_ =	shalt  }
0x77: {  	_ =	shalt  }
0x78: {  	_ =	shalt  }
0x79: {  	_ =	shalt  }
0x7a: {  	_ =	shalt  }
0x7b: {  	_ =	shalt  }
0x7c: {  	_ =	shalt  }
0x7d: {  	_ =	shalt  }
0x7e: {  	_ =	shalt  }
0x7f: {  	_ =	shalt  }
0x80: {  	_ =	shalt  }
0x81: {  	_ =	shalt  }
0x82: {  	_ =	shalt  }
0x83: {  	_ =	shalt  }
0x84: {  	_ =	shalt  }
0x85: {  	_ =	shalt  }
0x86: {  	_ =	shalt  }
0x87: {  	_ =	shalt  }
.Lfunc_end0:
.L_simem_size_0:
called_computation.1_lowered:
.L_overlay_start_0:
0x88: {  	s2 =	sld [smem:$0x3FD9]  }
0x89: {  	s3 =	sld [smem:$0x3FFE];
	_ =	sdelay $0x1  }
0x8a: {  	s1 =	srdreg.scid  }
0x8b: {  	s0 =	sand.u32 $0x1, s1  }
0x8c: {  	s16 =	sshll.u32 s0, $0xA;
	s2 =	sadd.s32 s3, s2  }
0x8d: {  	s2 =	sadd.s32 s2, s16  }
0x8e: {  	[smem:$0x3FB8] =	sst s2  }
0x8f: {  	_ = 	snop  }
0x90: {  	(tm) =	ssettm $0x1  }
0x91: {  	s17 =	sld [smem:$0x3FFB];
	_ =	sdelay $0x3  }
0x92: {  	_ =	strace s17  }
0x93: {  	s2 =	sld [smem:$0x3FFC];
	_ =	sdelay $0x3  }
0x94: {  	_ =	strace s2  }
0x95: {  	s2 =	sld [smem:$0x3FFD];
	_ =	sdelay $0x3  }
0x96: {  	_ =	strace s2  }
0x97: {  	_ =	strace $0x8FFFFFFF  }
0x98: {  	s18 =	sld [smem:$0x3FDB];
	_ =	sdelay $0x1  }
0x99: {  	s19 =	simm.s32 $_scs_section_size  }
0x9a: {  	s4 =	simm.s32 $_size__tile_overlayer_lowered;
	s5 =	simm.s32 $_tile_overlayer_lowered  }
0x9b: {  	s22 =	simm.s32 $0x1BFF;
	s21 =	sshll.u32 s5, $0x1;
	s2 =	sadd.s32 s19, s18  }
0x9c: {  	s6 =	simm.s32 $0x0;
	s20 =	sshll.u32 s4, $0x1;
	s4 =	sadd.s32 s21, s2  }
0x9d: {  	[timem:s6], [sflag:s22] =	dma.local [hbm:s4], s20  }
0x9e: {  	_ =	swait.ge [sflag:s22], s20  }
0x9f: {  	s3 =	ssub.s32 $0x0, s20;
	[sflag:s22] =	ssyncset.done $0x0  }
0xa0: {  	[sflag:s22] =	ssyncadd.s32 s3;
	_ =	sdelay $0x1  }
0xa1: {  	s23 =	simm.s32 $0x1B8B  }
0xa2: {  	_ =	swait.ge [sflag:s23], $0x1  }
0xa3: {  	[sflag:s23] =	ssyncset.done $0x0  }
0xa4: {  	s25 =	simm.s32 $0x1B8E;
	s24 =	sld [smem:$0x3FFE];
	[sflag:s23] =	ssyncadd.s32 $0xFFFFFFFF  }
0xa5: {  	s26 =	simm.s32 $execute0_lowered;
	[smem:$0x3FD2] =	sst s25  }
0xa6: {  	s4 =	sshll.u32 s26, $0x1;
	_ =	strace $0x80000049;
	[dreg:$0x1] =	wrdreg $0xFFFFFFFF  }
0xa7: {  	s28 =	simm.s32 $_size_execute0_lowered;
	s2 =	sadd.s32 s2, s4;
	[dreg:$0x0] =	wrdreg $0x0  }
0xa8: {  	s4 =	sshll.u32 s28, $0x1;
	[dreg:$0x2] =	wrdreg s2  }
0xa9: {  	[dreg:$0x3] =	wrdreg s4  }
0xaa: {  	[dreg:$0x4] =	wrdreg $0xC0  }
0xab: {  	_ =	task [dreg:s6], $0x5FFFF  }
0xac: {  	[dreg:$0x1] =	wrdreg $0xFFFFFFFF  }
0xad: {  	[dreg:$0x0] =	wrdreg $0x60  }
0xae: {  	[dreg:$0x2] =	wrdreg s24  }
0xaf: {  	[dreg:$0x3] =	wrdreg $0xA1000  }
0xb0: {  	[dreg:$0x4] =	wrdreg $0x9  }
0xb1: {  	_ =	task.clear_ibuf [dreg:s6], $0x5FFFF;
	_ =	strace $0x90000049  }
0xb2: {  	s29 =	simm.s32 $0x9;
	_ =	strace $0x8000004B  }
0xb3: {  	_ =	swait.ge [sflag:s29], $0x1  }
0xb4: {  	[sflag:s29] =	ssyncadd.s32 $0xFFFFFFFF  }
0xb5: {  	_ =	strace $0x9000004B  }
0xb6: {  	_ =	sfence  }
0xb7: {  	s30 =	sld [smem:$0x0];
	_ =	sdelay $0x2  }
0xb8: {  	s31 =	sshll.u32 s1, $0xD;
	s1 =	sshrl.u32 s1, $0x2  }
0xb9: {  	s3 =	sand.u32 $0x4000, s31;
	s1 =	sadd.s32 s1, s30  }
0xba: {  	s0 =	sor.u32 s3, s0;
	s1 =	sshll.u32 s1, $0x11  }
0xbb: {  	s0 =	sor.u32 s1, s0  }
0xbc: {  	s0 =	sadd.s32 $0x8F2B, s0  }
0xbd: {  	[sflag:s0] =	ssyncadd.remote.s32 $0x1  }
0xbe: {  	_ =	sfence.sel $0xFFFF  }
0xbf: {  	[dreg:$0x0] =	wrdreg $0xFFFFFFFF;
	(pc) =	sbr.abs _section_cstart, $3  }
0xc0: {  	[dreg:$0x1] =	wrdreg $0xFFFFFFFF  }
0xc1: {  	_ =	task.clear_ibuf [dreg:s6], $0x2FFFF;
	_ =	strace $0x9FFFFFFF  }
0xc2: {  	(tm) =	ssettm $0x7FFFFFFF  }
0xc3: {  	_ =	shalt  }
tec
execute0_lowered:
.L_overlay_start_1:
0x0: {  	(tag) =	ssettag $0x1  }
0x1: {  	s6 =	rddreg [dreg:$0x0]  }
0x2: {  	s2 =	rddreg [dreg:$0x1];
	s1 =	stileid.u32  }
0x3: {  	s3 =	srdreg.scid;
	s0 =	rddreg [dreg:$0x2];
	s14 =	simm.s32 $0x1  }
0x4: {  	s15 =	simm.s32 $0x40;
	s17 =	simm.s32 $0x5100;
	s18 =	simm.s32 $0x0  }
0x5: {  	s5 =	sand.u32 $0x1, s3;
	s4 =	sshll.u32 s1, $0x1;
	s7 =	smul.u32 $0x2700, s1  }
0x6: {  	s3 =	simm.s32 $0x0;
	s10 =	smul.u32 $0x4E000, s1;
	p0 =	seq.s32 s1, $0xF  }
0x7: {  	s8 =	sor.u32 s5, s4;
	[smem:$0x7FF] =	sst s3;
	s4 =	sadd.s32 $0x1600, s6  }
0x8: {  	s5 =	ssub.s32 $0x2, s5;
	s9 =	smul.u32 $0xA00, s8;
	_ =	strace $0x8000004A  }
0x9: {  	s7 =	sadd.s32 s7, s6;
	s11 =	sshrl.u32 s5, $0x1;
	s10 =	sshrl.u32 s10, $0x2  }
0xa: {  	s13 =	smul.u32 $0x140, s8;
	s11 =	ssub.s32 s5, s11;
	s12 =	sadd.s32 s10, s2  }
.Ltmp0:
0xb: {  	s5 =	sadd.s32 $0xB400, s7;
	s10 =	sadd.s32 $0x124800, s2;
	(pc) =	sbr.rel .LBB2_1-.Ltmp0, $4  }
0xc: {  	s9 =	sadd.s32 s9, s6;
	s6 =	sadd.s32 $0x2FD00, s6;
	s16 =	sadd.s32 $0x140, s13  }
0xd: {  	s8 =	smax.u32 s11, $0x1;
	s11 =	sshrl.u32 @!p0 s12, $0x3;
	s12 =	simm.s32 $0x2  }
0xe: {  	v2 =	vimm.bf16 $0.0e+00;
	s7 =	sadd.s32 $0x32600, s9;
	s9 =	sshrl.u32 @p0 s10, $0x3;
	s10 =	sshll.u32 @!p0 s1, $0x6  }
0xf: {  	v3 =	vimm.s32 $0x0;
	v0 =	vmov s13;
	s13 =	simm.s32 $0x1000;
	v1 =	vmov s16;
	s16 =	simm.s32 $0x3100;
	s10 =	sor.u32 @!p0 $0x1C02, s10  }
.LBB2_19:
0x10: {  	s18 =	sadd.s32 $0x1, s18  }
0x11: {  	p1 =	sne.s32 s18, s8  }
.Ltmp1:
0x12: {  	_ = 	snop;
	(pc) =	sbr.rel @!p1 .LBB2_20-.Ltmp1, $4  }
0x13: {  	[hbm4b:s7+s3] =	stream.linear.scatter [tilespmem:s17], [sflag:$0x2], $0x5000, $0x38;
	[tilespmem:$0x13D40] =	vst v63  }
0x14: {  	_ =	swait.ge [sflag:s12], $0x5000  }
0x15: {  	[sflag:s12] =	ssyncset.done $0x0  }
0x16: {  	[sflag:s12] =	ssyncadd.s32 $0xFFFFB000  }
.LBB2_1:
0x17: {  	s19 =	simm.s32 @p0 $0x1FC2  }
0x18: {  	[spmem:s9], [sflag:s19] =	dma.local @p0 [hbm:s6], $0x2800  }
0x19: {  	s19 =	simm.s32 @p0 $0x2  }
0x1a: {  	_ =	swait.ge @p0 [sflag:s19], $0x2800  }
0x1b: {  	[sflag:s19] =	ssyncset.done @p0 $0x0  }
0x1c: {  	[sflag:s19] =	ssyncadd.s32 @p0 $0xFFFFD800;
	s19 =	simm.s32 @!p0 $0x2  }
0x1d: {  	[spmem:s11], [sflag:s10] =	dma.local @!p0 [hbm:s5], $0x2700  }
0x1e: {  	_ =	swait.ge @!p0 [sflag:s19], $0x2700  }
0x1f: {  	s20 =	simm.s32 $0x0;
	s21 =	simm.s32 $0x0;
	[sflag:s19] =	ssyncset.done @!p0 $0x0  }
0x20: {  	s20 =	sand.u32 $0x7F80, s20;
	[sflag:s19] =	ssyncadd.s32 @!p0 $0xFFFFD900;
	s19 =	simm.s32 $0x1  }
.LBB2_2:
0x21: {  	p1 =	sne.s32 s19, $0x13F;
	s19 =	sadd.s32 $0x1, s19;
	[tilespmem:s20+$0x5160] =	vst v2;
	s21 =	sadd.s32 $0x80, s21  }
.Ltmp2:
0x22: {  	[tilespmem:s20+$0x5140] =	vst v2;
	(pc) =	sbr.rel @p1 .LBB2_2-.Ltmp2, $4  }
0x23: {  	[tilespmem:s20+$0x5100] =	vst v2  }
0x24: {  	[tilespmem:s20+$0x5120] =	vst v2  }
0x25: {  	s20 =	sshrl.u32 s21, $0x1  }
0x26: {  	s20 =	sand.u32 $0x7F80, s20  }
0x27: {  	[tilespmem:s20+$0x5160] =	vst v2  }
.Ltmp3:
0x28: {  	[tilespmem:s20+$0x5140] =	vst v2;
	(pc) =	sbr.rel .LBB2_4-.Ltmp3, $4  }
0x29: {  	[tilespmem:s20+$0x5100] =	vst v2  }
0x2a: {  	[tilespmem:s20+$0x5120] =	vst v2  }
0x2b: {  	[bflag:$0x0] =	sbarrier.arrive $0xFFFF  }
0x2c: {  	s19 =	simm.s32 $0x0;
	s20 =	simm.s32 $0x0  }
.LBB2_18:
0x2d: {  	s20 =	sadd.s32 $0x1, s20  }
0x2e: {  	p1 =	sne.s32 s20, $0x50  }
.Ltmp4:
0x2f: {  	_ = 	snop;
	(pc) =	sbr.rel @!p1 .LBB2_19-.Ltmp4, $1  }
0x30: {  	_ =	sdelay $0x3  }
.LBB2_4:
0x31: {  	s21 =	smul.u32 $0x1F4, s20;
	_ =	sdelay $0x1  }
0x32: {  	s21 =	sadd.s32 s4, s21  }
0x33: {  	[tilespmem:s19], [sflag:$0x2] =	stream.linear.gather [hbm4b:s21+s19], $0xFA0, $0x38;
	[tilespmem:$0x13D40] =	vst v63  }
0x34: {  	_ =	swait.ge [sflag:s12], $0xFA0  }
0x35: {  	[sflag:s12] =	ssyncset.done $0x0  }
0x36: {  	v5 =	vimm.s32 $0x0;
	s22 =	simm.s32 $0x0;
	v4 =	vimm.s32 $0x0;
	s21 =	simm.s32 $0x40;
	[sflag:s12] =	ssyncadd.s32 $0xFFFFF060  }
.LBB2_5:
0x37: {  	p1 =	sne.s32 s21, $0x3E40;
	v6 =	vld [tilespmem:s22+$0x0];
	_ =	sdelay $0x4  }
0x38: {  	v7 =	vand.u32 $0x3FFF, v6  }
0x39: {  	vm0 =	vge.u32 v7, v0;
	vm1 =	vlt.u32 v7, v1  }
0x3a: {  	vm0 =	vmand vm0, vm1  }
0x3b: {  	v8 =	vsel vm0, $0x1, v3;
	v9 =	vmpcnt.ones.xlane vm0  }
0x3c: {  	(xrf0) =	vadd.scan.msk.s32 $0xffff, v8  }
0x3d: {  	v5 =	vadd.s32 v5, v9;
	_ =	sdelay $0x4  }
0x3e: {  	v8, _, _ =	vpop (xrf0)  }
0x3f: {  	v8 =	vadd.s32 v8, v4;
	v4 =	vmov v5  }
0x40: {  	v8 =	vadd.s32 $0xFFFFFFFF, v8  }
.Ltmp5:
0x41: {  	(pc) =	sbr.rel @p1 .LBB2_5-.Ltmp5, $4  }
0x42: {  	v6 =	vshrl.u32 v6, $0x5  }
0x43: {  	v6 =	vand.u32 $0x7FFFE00, v6;
	v7 =	vsub.s32 v7, v0  }
0x44: {  	v6 =	vadd.s32 v6, v7  }
0x45: {  	s22 =	sshra.s32 s21, $0x2;
	s21 =	sadd.s32 $0x40, s21;
	[tilespmem:v8+s13+$0x0] =	vst.idx.msk vm0, v6  }
0x46: {  	v6 =	vld [tilespmem:s22+$0x0];
	_ =	sdelay $0x4  }
0x47: {  	v7 =	vand.u32 $0x3FFF, v6  }
0x48: {  	vm0 =	vge.u32 v7, v0;
	vm1 =	vlt.u32 v7, v1  }
0x49: {  	vm0 =	vmand vm0, vm1  }
0x4a: {  	v8 =	vmpcnt.ones.xlane vm0;
	_ =	sdelay $0x1  }
0x4b: {  	v5 =	vadd.s32 v5, v8  }
0x4c: {  	(v2sf) =	vpush v5, $0x0;
	_ =	sdelay $0x9  }
0x4d: {  	v5 =	vsel vm0, $0x1, v3  }
0x4e: {  	(xrf0) =	vadd.scan.msk.s32 $0xffff, v5;
	_ =	sdelay $0x3  }
0x4f: {  	s21 =	spop (v2sf)  }
0x50: {  	s30 =	sadd.s32 $0x3F, s21  }
0x51: {  	v5, _, _ =	vpop (xrf0);
	s23 =	sand.u32 $0x3F, s30  }
0x52: {  	v4 =	vadd.s32 v5, v4;
	s31 =	sshra.s32 s30, $0x1F;
	p2 =	slt.s32 s30, $0x1;
	p1 =	sne.s32 s23, $0x0  }
0x53: {  	v4 =	vadd.s32 $0xFFFFFFFF, v4;
	s23 =	sshrl.u32 s31, $0x1A;
	p1 =	por !p2, !p1  }
0x54: {  	s22 =	sadd.s32 s23, s30;
	s23 =	simm.s32 $0x1;
	p1 =	por !p1, !p1  }
0x55: {  	v5 =	vshrl.u32 v6, $0x5;
	s22 =	sshra.s32 s22, $0x6;
	s23 =	simm.s32 @!p1 $0x0  }
0x56: {  	v63 =	vsub.s32 v7, v0;
	v5 =	vand.u32 $0x7FFFE00, v5;
	s22 =	ssub.s32 s22, s23  }
0x57: {  	v5 =	vadd.s32 v5, v63;
	p1 =	slt.s32 s22, $0x1  }
.Ltmp6:
0x58: {  	[tilespmem:v4+s13+$0x0] =	vst.idx.msk vm0, v5;
	(pc) =	sbr.rel @p1 .LBB2_18-.Ltmp6, $4  }
0x59: {  	[tilespmem:s21+$0x1000] =	vst v3  }
0x5a: {  	[tilespmem:s21+$0x1010] =	vst v3  }
0x5b: {  	[tilespmem:s21+$0x1020] =	vst v3  }
0x5c: {  	[tilespmem:s21+$0x1030] =	vst v3  }
0x5d: {  	s25 =	sshll.u32 s22, $0x2  }
0x5e: {  	p2 =	sne.s32 s25, $0x1  }
.Ltmp7:
0x5f: {  	_ = 	snop;
	(pc) =	sbr.rel @!p2 .LBB2_8-.Ltmp7, $3  }
0x60: {  	_ =	sdelay $0x1  }
0x61: {  	s24 =	simm.s32 $0x1000  }
0x62: {  	s23 =	simm.s32 $0x2080;
	p1 =	por $0x0, $0x0;
	v4 =	vld [tilespmem:s24+$0x0];
	s25 =	sadd.s32 $0xFFFFFFFF, s25  }
0x63: {  	_ =	sdelay $0x2  }
0x64: {  	p2 =	sne.s32 s25, $0x1  }
.Ltmp8:
0x65: {  	v5 =	vshrl.u32 v4, $0x9;
	(pc) =	sbr.rel @!p2 .LBB2_10-.Ltmp8, $4  }
0x66: {  	v4 =	vand.u32 $0x1FF, v4;
	[tilespmem:s24+$0x0] =	vst v5  }
0x67: {  	s24 =	simm.s32 $0x1010;
	[tilespmem:s23+$0x0] =	vst v4  }
0x68: {  	v4 =	vld [tilespmem:s24+$0x0]  }
0x69: {  	s26 =	sadd.s32 $0xFFFFFFFF, s25;
	p1 =	por $0x1, $0x1;
	s25 =	simm.s32 $0x2080  }
.LBB2_11:
0x6a: {  	p2 =	sne.s32 s26, $0x1;
	_ =	sdelay $0x2  }
.Ltmp9:
0x6b: {  	v5 =	vshrl.u32 v4, $0x9;
	v4 =	vand.u32 $0x1FF, v4;
	(pc) =	sbr.rel @p2 .LBB2_11-.Ltmp9, $4  }
0x6c: {  	s25 =	sadd.s32 $0x10, s25;
	[tilespmem:s24+$0x0] =	vst v5  }
0x6d: {  	s24 =	sadd.s32 $0x10, s24;
	[tilespmem:s25+$0x0] =	vst v4  }
0x6e: {  	v4 =	vld [tilespmem:s24+$0x0]  }
0x6f: {  	s26 =	sadd.s32 $0xFFFFFFFF, s26  }
.LBB2_12:
0x70: {  	_ = 	snop  }
.Ltmp10:
0x71: {  	_ = 	snop;
	(pc) =	sbr.rel .LBB2_13-.Ltmp10, $4  }
0x72: {  	_ = 	snop  }
0x73: {  	s25 =	sadd.s32 @p1 $0x10, s25;
	s26 =	simm.s32 $0x2080;
	v5 =	vshrl.u32 v4, $0x9  }
0x74: {  	s26 =	smov.u32 @p1 s25;
	v4 =	vand.u32 $0x1FF, v4;
	[tilespmem:s24+$0x0] =	vst v5  }
0x75: {  	s25 =	smov.u32 s21;
	s24 =	simm.s32 $0x0;
	[tilespmem:s26+$0x0] =	vst v4  }
.LBB2_16:
0x76: {  	[tilespmem:s30+$0x5160] =	vst v4  }
.LBB2_17:
0x77: {  	s24 =	sadd.s32 $0x1, s24  }
0x78: {  	p1 =	sne.s32 s24, s22  }
.Ltmp11:
0x79: {  	_ = 	snop;
	(pc) =	sbr.rel @!p1 .LBB2_18-.Ltmp11, $2  }
0x7a: {  	_ =	sdelay $0x2  }
0x7b: {  	s25 =	sadd.s32 $0xFFFFFFC0, s25;
	s23 =	sadd.s32 $0x40, s23  }
.LBB2_13:
0x7c: {  	s26 =	sshll.u32 s24, $0x6  }
0x7d: {  	s28 =	sadd.s32 $0x1000, s26;
	s26 =	ssub.s32 s21, s26  }
0x7e: {  	p1 =	slt.s32 s26, $0x1  }
.Ltmp12:
0x7f: {  	_ = 	snop;
	(pc) =	sbr.rel @p1 .LBB2_17-.Ltmp12, $4  }
0x80: {  	[tilespmem:s16], [sflag:$0x1] =	stream.indirect.gather [spmem:s2], $0x40, s28, s15, $0xb8;
	[tilespmem:$0x13D40] =	vst v63  }
0x81: {  	_ =	swait.ge [sflag:s14], $0x1000  }
0x82: {  	[sflag:s14] =	ssyncset.done $0x0  }
0x83: {  	[sflag:s14] =	ssyncadd.s32 $0xFFFFF000  }
0x84: {  	v4 =	vld [tilespmem:s23+$0x0];
	_ =	sdelay $0x4  }
0x85: {  	(v2sf) =	vpush v4, $0x0;
	_ =	sdelay $0xe  }
0x86: {  	s26 =	spop (v2sf)  }
0x87: {  	s28 =	sshll.u32 s26, $0x7  }
0x88: {  	s26 =	simm.s32 $0x3120;
	s28 =	sshra.s32 s28, $0x1  }
0x89: {  	v4 =	vld [tilespmem:s26+$0xFFFFFFE0];
	s30 =	sand.u32 $0xFFFFFF80, s28  }
0x8a: {  	v5 =	vld [tilespmem:s30+$0x5100];
	_ =	sdelay $0x4  }
0x8b: {  	v4 =	vmax.bf16 v5, v4  }
0x8c: {  	[tilespmem:s30+$0x5100] =	vst v4;
	v4 =	vld [tilespmem:s30+$0x5120]  }
0x8d: {  	v5 =	vld [tilespmem:s26+$0xFFFFFFF0];
	_ =	sdelay $0x4  }
0x8e: {  	v4 =	vmax.bf16 v4, v5  }
0x8f: {  	[tilespmem:s30+$0x5120] =	vst v4;
	v4 =	vld [tilespmem:s30+$0x5140]  }
0x90: {  	v5 =	vld [tilespmem:s26+$0x0];
	_ =	sdelay $0x3  }
0x91: {  	p1 =	sgt.s32 s25, $0x1;
	s28 =	smov.u32 s25  }
0x92: {  	s28 =	simm.s32 @!p1 $0x1;
	v4 =	vmax.bf16 v4, v5  }
0x93: {  	s28 =	smin.u32 s28, $0x40;
	[tilespmem:s30+$0x5140] =	vst v4;
	v4 =	vld [tilespmem:s30+$0x5160]  }
0x94: {  	p1 =	sne.s32 s28, $0x1;
	v5 =	vld [tilespmem:s26+$0x10]  }
.Ltmp13:
0x95: {  	_ = 	snop;
	(pc) =	sbr.rel @!p1 .LBB2_16-.Ltmp13, $2  }
0x96: {  	_ =	sdelay $0x2  }
0x97: {  	s29 =	smov.u32 s23;
	s28 =	sadd.s32 $0xFFFFFFFF, s28;
	v4 =	vmax.bf16 v4, v5  }
.LBB2_15:
0x98: {  	p1 =	sne.s32 s28, $0x1;
	[tilespmem:s30+$0x5160] =	vst v4;
	s29 =	sadd.s32 $0x1, s29;
	s26 =	sadd.s32 $0x80, s26  }
0x99: {  	s28 =	sadd.s32 $0xFFFFFFFF, s28;
	v4 =	vld [tilespmem:s29+$0x0];
	_ =	sdelay $0x4  }
0x9a: {  	(v2sf) =	vpush v4, $0x0;
	_ =	sdelay $0xe  }
0x9b: {  	s30 =	spop (v2sf)  }
0x9c: {  	s30 =	sshll.u32 s30, $0x7  }
0x9d: {  	s30 =	sshra.s32 s30, $0x1  }
0x9e: {  	v4 =	vld [tilespmem:s26+$0xFFFFFFE0];
	s30 =	sand.u32 $0xFFFFFF80, s30  }
0x9f: {  	v5 =	vld [tilespmem:s30+$0x5100];
	_ =	sdelay $0x4  }
0xa0: {  	v4 =	vmax.bf16 v5, v4  }
0xa1: {  	[tilespmem:s30+$0x5100] =	vst v4;
	v4 =	vld [tilespmem:s30+$0x5120]  }
0xa2: {  	v5 =	vld [tilespmem:s26+$0xFFFFFFF0];
	_ =	sdelay $0x4  }
0xa3: {  	v4 =	vmax.bf16 v4, v5  }
0xa4: {  	[tilespmem:s30+$0x5120] =	vst v4;
	v4 =	vld [tilespmem:s30+$0x5140]  }
0xa5: {  	v5 =	vld [tilespmem:s26+$0x0];
	_ =	sdelay $0x4  }
0xa6: {  	v4 =	vmax.bf16 v4, v5  }
0xa7: {  	[tilespmem:s30+$0x5140] =	vst v4;
	v4 =	vld [tilespmem:s30+$0x5160]  }
0xa8: {  	v5 =	vld [tilespmem:s26+$0x10]  }
.Ltmp14:
0xa9: {  	(pc) =	sbr.rel @p1 .LBB2_15-.Ltmp14, $2  }
0xaa: {  	_ =	sdelay $0x2  }
0xab: {  	v4 =	vmax.bf16 v4, v5  }
.Ltmp15:
0xac: {  	_ = 	snop;
	(pc) =	sbr.rel .LBB2_16-.Ltmp15, $1  }
0xad: {  	_ =	sdelay $0x3  }
.LBB2_8:
.Ltmp16:
0xae: {  	(pc) =	sbr.rel .LBB2_12-.Ltmp16, $2  }
0xaf: {  	_ =	sdelay $0x2  }
0xb0: {  	s25 =	simm.s32 $0x2080  }
.LBB2_10:
.Ltmp17:
0xb1: {  	(pc) =	sbr.rel .LBB2_12-.Ltmp17, $2  }
0xb2: {  	_ =	sdelay $0x2  }
0xb3: {  	s25 =	simm.s32 $0x2080  }
.LBB2_20:
0xb4: {  	_ =	sfence.sel $0x180000  }
0xb5: {  	[bflag:$0x0] =	sbarrier.arrive $0xFFFF  }
0xb6: {  	p0 =	sne.s32 s1, $0x0;
	_ =	strace $0x9000004A  }
0xb7: {  	s0 =	sadd.s32 @!p0 $0x100000, s0;
	[bflag:$0x2] =	sbarrier.arrive $0xFFFF  }
0xb8: {  	[sflag:s0] =	ssyncadd.tile.s32 @!p0 $0x1;
	_ =	shalt  }
.Lfunc_end2:
_tile_overlayer_lowered:
.L_overlay_start_2:
0xb9: {  	(tag) =	ssettag $0x2  }
0xba: {  	s0 =	rddreg [dreg:$0x0];
	s2 =	stileid.u32  }
0xbb: {  	s1 =	rddreg [dreg:$0x1];
	p0 =	sne.s32 s2, $0x0  }
0xbc: {  	s3 =	rddreg [dreg:$0x2];
	[bflag:$0x3] =	sbarrier.arrive $0xFFFF;
	s2 =	simm.s32 @!p0 $0x1C02  }
0xbd: {  	[timem:s3], [sflag:s2] =	dma.local @!p0 [hbm:s0], s1  }
0xbe: {  	s0 =	simm.s32 @!p0 $0x2  }
0xbf: {  	_ =	swait.ge @!p0 [sflag:s0], s1  }
0xc0: {  	s1 =	ssub.s32 @!p0 $0x0, s1;
	[sflag:s0] =	ssyncset.done @!p0 $0x0  }
0xc1: {  	[sflag:s0] =	ssyncadd.s32 @!p0 s1  }
0xc2: {  	[bflag:$0x3] =	sbarrier.arrive $0xFFFF  }
0xc3: {  	_ =	shalt  }

// kernel: kernel.9.cloned.1.call-start
scs
__scs_entry_jumppad:
0x0: {  	(pc) =	sbr.rel $0x88, $3  }
0x1: {  	(tag) =	ssettag $0x0;
	lr =	simm.s32 $0x1  }
0x2: {  	[smem:$0x3F91] =	sst lr;
	_ =	strace $0xD0000000  }
0x3: {  	_ = 	snop  }
0x4: {  	_ = 	snop  }
0x5: {  	_ = 	snop  }
0x6: {  	_ = 	snop  }
0x7: {  	_ = 	snop  }
__scs_overlays_trampoline_lowered:
0x8: {  	[smem:$0x3FA0] =	sst s0  }
0x9: {  	[smem:$0x3FA1] =	sst s1  }
0xa: {  	[smem:$0x3FA2] =	sst s2  }
0xb: {  	[smem:$0x3FA3] =	sst s3  }
0xc: {  	[smem:$0x3FA4] =	sst s4  }
0xd: {  	[smem:$0x3FA5] =	sst s5  }
0xe: {  	[smem:$0x3FA6] =	sst s6  }
0xf: {  	[smem:$0x3FA7] =	sst s7  }
0x10: {  	[smem:$0x3FA8] =	sst s8  }
0x11: {  	[smem:$0x3FA9] =	sst s9;
	s0 =	simm.s32 @!p0 $0x0  }
0x12: {  	s1 =	sld [smem:$0x3F8F];
	s0 =	simm.s32 @p0 $0x1  }
0x13: {  	[smem:$0x3FAA] =	sst s0;
	s0 =	simm.s32 @!p1 $0x0  }
0x14: {  	s2 =	sld [smem:$0x3F8E];
	s0 =	simm.s32 @p1 $0x1  }
0x15: {  	[smem:$0x3FAB] =	sst s0;
	s0 =	simm.s32 @!p2 $0x0  }
0x16: {  	s3 =	sld [smem:$0x3FDB];
	s0 =	simm.s32 @p2 $0x1  }
0x17: {  	s4 =	simm.s32 $0x1BF5;
	[smem:$0x3FAD] =	sst s0  }
0x18: {  	s0 =	sld [smem:$0x3F90];
	_ =	swait.ge [sflag:s4], $0x0  }
0x19: {  	s7 =	sld [smem:$0x3F91]  }
0x1a: {  	s8 =	sadd.s32 $0xFFFFE003, lr  }
0x1b: {  	s9 =	sadd.s32 $0xFFFFFEF7, lr;
	s5 =	simm.s32 $0xFFFFFFFF;
	p2 =	slt.u32 s8, $0xFFFFF086  }
0x1c: {  	p1 =	slt.u32 s9, $0xF7A;
	s5 =	simm.s32 @!p2 $0x0  }
0x1d: {  	s5 =	simm.s32 @p1 $0x1;
	p0 =	seq.s32 s7, s2  }
0x1e: {  	s7 =	smul.u32 @!p0 $0xF7A, s2;
	p2 =	seq.s32 @!p0 s5, $0x0  }
0x1f: {  	s9 =	smul.u32 $0xF7A, s1;
	s8 =	simm.s32 @!p0 $0x1BF5;
	p2 =	por !p2, p0  }
0x20: {  	[sflag:s8] =	ssyncset.s32 @!p0 $0xFFFFF086;
	s6 =	sadd.s32 @!p0 s3, s7;
	s7 =	simm.s32 @!p0 $0x108  }
0x21: {  	s3 =	sadd.s32 s3, s9;
	s6 =	sadd.s32 @!p0 $0x88, s6;
	s7 =	simm.s32 @p2 $0x1082  }
0x22: {  	[simem:s7], [sflag:s8] =	dma.local @!p0 [hbm:s6], $0xF7A  }
0x23: {  	s9 =	sor.u32 $0xD0000000, s2;
	s6 =	simm.s32 $0x108;
	_ =	swait.ge @!p0 [sflag:s8], $0x0  }
0x24: {  	s3 =	sadd.s32 $0x88, s3;
	s6 =	simm.s32 @!p1 $0x1082;
	[sflag:s4] =	ssyncset.s32 $0xFFFFF086  }
0x25: {  	[simem:s6], [sflag:s4] =	dma.local [hbm:s3], $0xF7A  }
0x26: {  	[smem:$0x3F91] =	sst s1;
	(tag) =	ssettag s2;
	_ =	strace s9  }
0x27: {  	s1 =	sld [smem:$0x3FA1]  }
0x28: {  	s2 =	sld [smem:$0x3FA2]  }
0x29: {  	s4 =	sld [smem:$0x3FA4]  }
0x2a: {  	p0 =	seq.s32 s5, $0x0;
	s5 =	sld [smem:$0x3FA5]  }
0x2b: {  	s6 =	sld [smem:$0x3FA6]  }
0x2c: {  	s7 =	sld [smem:$0x3FA7]  }
0x2d: {  	s3 =	simm.s32 $0x108;
	s8 =	sld [smem:$0x3FA8]  }
0x2e: {  	s3 =	simm.s32 @!p0 $0x1082;
	s9 =	sld [smem:$0x3FA9]  }
0x2f: {  	lr =	sadd.s32 s0, s3;
	s0 =	sld [smem:$0x3FA0]  }
0x30: {  	s3 =	sld [smem:$0x3FA3]  }
0x31: {  	[smem:$0x3FAC] =	sst s10  }
0x32: {  	s10 =	sld [smem:$0x3FAA];
	_ =	sdelay $0x3  }
0x33: {  	p0 =	seq.s32 s10, $0x1;
	s10 =	sld [smem:$0x3FAC];
	_ =	sdelay $0x3  }
0x34: {  	[smem:$0x3FAC] =	sst s10  }
0x35: {  	s10 =	sld [smem:$0x3FAB];
	_ =	sdelay $0x3  }
0x36: {  	p1 =	seq.s32 s10, $0x1;
	s10 =	sld [smem:$0x3FAC];
	_ =	sdelay $0x3  }
0x37: {  	[smem:$0x3FAC] =	sst s10  }
0x38: {  	s10 =	sld [smem:$0x3FAD]  }
0x39: {  	_ = 	snop;
	(pc) =	sbr.ind lr, $3  }
0x3a: {  	_ = 	snop  }
0x3b: {  	_ = 	snop  }
0x3c: {  	p2 =	seq.s32 s10, $0x1;
	s10 =	sld [smem:$0x3FAC]  }
0x3d: {  	_ =	shalt  }
0x3e: {  	_ =	shalt  }
0x3f: {  	_ =	shalt  }
0x40: {  	_ =	shalt  }
0x41: {  	_ =	shalt  }
0x42: {  	_ =	shalt  }
0x43: {  	_ =	shalt  }
0x44: {  	_ =	shalt  }
0x45: {  	_ =	shalt  }
0x46: {  	_ =	shalt  }
0x47: {  	_ =	shalt  }
0x48: {  	_ =	shalt  }
0x49: {  	_ =	shalt  }
0x4a: {  	_ =	shalt  }
0x4b: {  	_ =	shalt  }
0x4c: {  	_ =	shalt  }
0x4d: {  	_ =	shalt  }
0x4e: {  	_ =	shalt  }
0x4f: {  	_ =	shalt  }
0x50: {  	_ =	shalt  }
0x51: {  	_ =	shalt  }
0x52: {  	_ =	shalt  }
0x53: {  	_ =	shalt  }
0x54: {  	_ =	shalt  }
0x55: {  	_ =	shalt  }
0x56: {  	_ =	shalt  }
0x57: {  	_ =	shalt  }
0x58: {  	_ =	shalt  }
0x59: {  	_ =	shalt  }
0x5a: {  	_ =	shalt  }
0x5b: {  	_ =	shalt  }
0x5c: {  	_ =	shalt  }
0x5d: {  	_ =	shalt  }
0x5e: {  	_ =	shalt  }
0x5f: {  	_ =	shalt  }
0x60: {  	_ =	shalt  }
0x61: {  	_ =	shalt  }
0x62: {  	_ =	shalt  }
0x63: {  	_ =	shalt  }
0x64: {  	_ =	shalt  }
0x65: {  	_ =	shalt  }
0x66: {  	_ =	shalt  }
0x67: {  	_ =	shalt  }
0x68: {  	_ =	shalt  }
0x69: {  	_ =	shalt  }
0x6a: {  	_ =	shalt  }
0x6b: {  	_ =	shalt  }
0x6c: {  	_ =	shalt  }
0x6d: {  	_ =	shalt  }
0x6e: {  	_ =	shalt  }
0x6f: {  	_ =	shalt  }
0x70: {  	_ =	shalt  }
0x71: {  	_ =	shalt  }
0x72: {  	_ =	shalt  }
0x73: {  	_ =	shalt  }
0x74: {  	_ =	shalt  }
0x75: {  	_ =	shalt  }
0x76: {  	_ =	shalt  }
0x77: {  	_ =	shalt  }
0x78: {  	_ =	shalt  }
0x79: {  	_ =	shalt  }
0x7a: {  	_ =	shalt  }
0x7b: {  	_ =	shalt  }
0x7c: {  	_ =	shalt  }
0x7d: {  	_ =	shalt  }
0x7e: {  	_ =	shalt  }
0x7f: {  	_ =	shalt  }
0x80: {  	_ =	shalt  }
0x81: {  	_ =	shalt  }
0x82: {  	_ =	shalt  }
0x83: {  	_ =	shalt  }
0x84: {  	_ =	shalt  }
0x85: {  	_ =	shalt  }
0x86: {  	_ =	shalt  }
0x87: {  	_ =	shalt  }
.Lfunc_end0:
.L_simem_size_0:
called_computation_lowered:
.L_overlay_start_0:
0x88: {  	s2 =	sld [smem:$0x3FD9]  }
0x89: {  	s3 =	sld [smem:$0x3FFE];
	_ =	sdelay $0x1  }
0x8a: {  	s1 =	srdreg.scid  }
0x8b: {  	s0 =	sand.u32 $0x1, s1  }
0x8c: {  	s16 =	sshll.u32 s0, $0xA;
	s2 =	sadd.s32 s3, s2  }
0x8d: {  	s2 =	sadd.s32 s2, s16  }
0x8e: {  	[smem:$0x3FB8] =	sst s2  }
0x8f: {  	_ = 	snop  }
0x90: {  	(tm) =	ssettm $0x1  }
0x91: {  	s17 =	sld [smem:$0x3FFB];
	_ =	sdelay $0x3  }
0x92: {  	_ =	strace s17  }
0x93: {  	s2 =	sld [smem:$0x3FFC];
	_ =	sdelay $0x3  }
0x94: {  	_ =	strace s2  }
0x95: {  	s2 =	sld [smem:$0x3FFD];
	_ =	sdelay $0x3  }
0x96: {  	_ =	strace s2  }
0x97: {  	_ =	strace $0x8FFFFFFF  }
0x98: {  	s18 =	sld [smem:$0x3FDB];
	_ =	sdelay $0x1  }
0x99: {  	s19 =	simm.s32 $_scs_section_size  }
0x9a: {  	s4 =	simm.s32 $_size__tile_overlayer_lowered;
	s5 =	simm.s32 $_tile_overlayer_lowered  }
0x9b: {  	s22 =	simm.s32 $0x1BFF;
	s21 =	sshll.u32 s5, $0x1;
	s2 =	sadd.s32 s19, s18  }
0x9c: {  	s6 =	simm.s32 $0x0;
	s20 =	sshll.u32 s4, $0x1;
	s4 =	sadd.s32 s21, s2  }
0x9d: {  	[timem:s6], [sflag:s22] =	dma.local [hbm:s4], s20  }
0x9e: {  	_ =	swait.ge [sflag:s22], s20  }
0x9f: {  	s3 =	ssub.s32 $0x0, s20;
	[sflag:s22] =	ssyncset.done $0x0  }
0xa0: {  	[sflag:s22] =	ssyncadd.s32 s3;
	_ =	sdelay $0x1  }
0xa1: {  	s23 =	simm.s32 $0x1B8B  }
0xa2: {  	_ =	swait.ge [sflag:s23], $0x1  }
0xa3: {  	[sflag:s23] =	ssyncset.done $0x0  }
0xa4: {  	s25 =	simm.s32 $0x1B8E;
	s24 =	sld [smem:$0x3FFE];
	[sflag:s23] =	ssyncadd.s32 $0xFFFFFFFF  }
0xa5: {  	s26 =	simm.s32 $execute0_lowered;
	[smem:$0x3FD2] =	sst s25  }
0xa6: {  	s4 =	sshll.u32 s26, $0x1;
	_ =	strace $0x80000046;
	[dreg:$0x1] =	wrdreg $0xFFFFFFFF  }
0xa7: {  	s28 =	simm.s32 $_size_execute0_lowered;
	s2 =	sadd.s32 s2, s4;
	[dreg:$0x0] =	wrdreg $0x0  }
0xa8: {  	s4 =	sshll.u32 s28, $0x1;
	[dreg:$0x2] =	wrdreg s2  }
0xa9: {  	[dreg:$0x3] =	wrdreg s4  }
0xaa: {  	[dreg:$0x4] =	wrdreg $0xC0  }
0xab: {  	_ =	task [dreg:s6], $0x5FFFF  }
0xac: {  	[dreg:$0x1] =	wrdreg $0xFFFFFFFF  }
0xad: {  	[dreg:$0x0] =	wrdreg $0x60  }
0xae: {  	[dreg:$0x2] =	wrdreg s24  }
0xaf: {  	[dreg:$0x3] =	wrdreg $0xA1000  }
0xb0: {  	[dreg:$0x4] =	wrdreg $0x9  }
0xb1: {  	_ =	task.clear_ibuf [dreg:s6], $0x5FFFF;
	_ =	strace $0x90000046  }
0xb2: {  	s29 =	simm.s32 $0x9;
	_ =	strace $0x80000048  }
0xb3: {  	_ =	swait.ge [sflag:s29], $0x1  }
0xb4: {  	[sflag:s29] =	ssyncadd.s32 $0xFFFFFFFF  }
0xb5: {  	_ =	strace $0x90000048  }
0xb6: {  	_ =	sfence  }
0xb7: {  	s30 =	sld [smem:$0x0];
	_ =	sdelay $0x2  }
0xb8: {  	s31 =	sshll.u32 s1, $0xD;
	s1 =	sshrl.u32 s1, $0x2  }
0xb9: {  	s3 =	sand.u32 $0x4000, s31;
	s1 =	sadd.s32 s1, s30  }
0xba: {  	s0 =	sor.u32 s3, s0;
	s1 =	sshll.u32 s1, $0x11  }
0xbb: {  	s0 =	sor.u32 s1, s0  }
0xbc: {  	s0 =	sadd.s32 $0x8F2B, s0  }
0xbd: {  	[sflag:s0] =	ssyncadd.remote.s32 $0x1  }
0xbe: {  	_ =	sfence.sel $0xFFFF  }
0xbf: {  	[dreg:$0x0] =	wrdreg $0xFFFFFFFF;
	(pc) =	sbr.abs _section_cstart, $3  }
0xc0: {  	[dreg:$0x1] =	wrdreg $0xFFFFFFFF  }
0xc1: {  	_ =	task.clear_ibuf [dreg:s6], $0x2FFFF;
	_ =	strace $0x9FFFFFFF  }
0xc2: {  	(tm) =	ssettm $0x7FFFFFFF  }
0xc3: {  	_ =	shalt  }
tec
execute0_lowered:
.L_overlay_start_1:
0x0: {  	(tag) =	ssettag $0x1  }
0x1: {  	s6 =	rddreg [dreg:$0x0]  }
0x2: {  	s2 =	rddreg [dreg:$0x1];
	s1 =	stileid.u32  }
0x3: {  	s3 =	srdreg.scid;
	s0 =	rddreg [dreg:$0x2];
	s14 =	simm.s32 $0x1  }
0x4: {  	s15 =	simm.s32 $0x40;
	s17 =	simm.s32 $0x5100;
	s18 =	simm.s32 $0x0  }
0x5: {  	s5 =	sand.u32 $0x1, s3;
	s4 =	sshll.u32 s1, $0x1;
	s7 =	smul.u32 $0x2700, s1  }
0x6: {  	s3 =	simm.s32 $0x0;
	s10 =	smul.u32 $0x4E000, s1;
	p0 =	seq.s32 s1, $0xF  }
0x7: {  	s8 =	sor.u32 s5, s4;
	[smem:$0x7FF] =	sst s3;
	s4 =	sadd.s32 $0x1600, s6  }
0x8: {  	s5 =	ssub.s32 $0x2, s5;
	s9 =	smul.u32 $0xA00, s8;
	_ =	strace $0x80000047  }
0x9: {  	s7 =	sadd.s32 s7, s6;
	s11 =	sshrl.u32 s5, $0x1;
	s10 =	sshrl.u32 s10, $0x2  }
0xa: {  	s13 =	smul.u32 $0x140, s8;
	s11 =	ssub.s32 s5, s11;
	s12 =	sadd.s32 s10, s2  }
.Ltmp0:
0xb: {  	s5 =	sadd.s32 $0xB400, s7;
	s10 =	sadd.s32 $0x124800, s2;
	(pc) =	sbr.rel .LBB2_1-.Ltmp0, $4  }
0xc: {  	s9 =	sadd.s32 s9, s6;
	s6 =	sadd.s32 $0x2FD00, s6;
	s16 =	sadd.s32 $0x140, s13  }
0xd: {  	s8 =	smax.u32 s11, $0x1;
	s11 =	sshrl.u32 @!p0 s12, $0x3;
	s12 =	simm.s32 $0x2  }
0xe: {  	v2 =	vimm.bf16 $0.0e+00;
	s7 =	sadd.s32 $0x32600, s9;
	s9 =	sshrl.u32 @p0 s10, $0x3;
	s10 =	sshll.u32 @!p0 s1, $0x6  }
0xf: {  	v3 =	vimm.s32 $0x0;
	v0 =	vmov s13;
	s13 =	simm.s32 $0x1000;
	v1 =	vmov s16;
	s16 =	simm.s32 $0x3100;
	s10 =	sor.u32 @!p0 $0x1C02, s10  }
.LBB2_19:
0x10: {  	s18 =	sadd.s32 $0x1, s18  }
0x11: {  	p1 =	sne.s32 s18, s8  }
.Ltmp1:
0x12: {  	_ = 	snop;
	(pc) =	sbr.rel @!p1 .LBB2_20-.Ltmp1, $4  }
0x13: {  	[hbm4b:s7+s3] =	stream.linear.scatter [tilespmem:s17], [sflag:$0x2], $0x5000, $0x38;
	[tilespmem:$0x13D40] =	vst v63  }
0x14: {  	_ =	swait.ge [sflag:s12], $0x5000  }
0x15: {  	[sflag:s12] =	ssyncset.done $0x0  }
0x16: {  	[sflag:s12] =	ssyncadd.s32 $0xFFFFB000  }
.LBB2_1:
0x17: {  	s19 =	simm.s32 @p0 $0x1FC2  }
0x18: {  	[spmem:s9], [sflag:s19] =	dma.local @p0 [hbm:s6], $0x2800  }
0x19: {  	s19 =	simm.s32 @p0 $0x2  }
0x1a: {  	_ =	swait.ge @p0 [sflag:s19], $0x2800  }
0x1b: {  	[sflag:s19] =	ssyncset.done @p0 $0x0  }
0x1c: {  	[sflag:s19] =	ssyncadd.s32 @p0 $0xFFFFD800;
	s19 =	simm.s32 @!p0 $0x2  }
0x1d: {  	[spmem:s11], [sflag:s10] =	dma.local @!p0 [hbm:s5], $0x2700  }
0x1e: {  	_ =	swait.ge @!p0 [sflag:s19], $0x2700  }
0x1f: {  	s20 =	simm.s32 $0x0;
	s21 =	simm.s32 $0x0;
	[sflag:s19] =	ssyncset.done @!p0 $0x0  }
0x20: {  	s20 =	sand.u32 $0x7F80, s20;
	[sflag:s19] =	ssyncadd.s32 @!p0 $0xFFFFD900;
	s19 =	simm.s32 $0x1  }
.LBB2_2:
0x21: {  	p1 =	sne.s32 s19, $0x13F;
	s19 =	sadd.s32 $0x1, s19;
	[tilespmem:s20+$0x5160] =	vst v2;
	s21 =	sadd.s32 $0x80, s21  }
.Ltmp2:
0x22: {  	[tilespmem:s20+$0x5140] =	vst v2;
	(pc) =	sbr.rel @p1 .LBB2_2-.Ltmp2, $4  }
0x23: {  	[tilespmem:s20+$0x5100] =	vst v2  }
0x24: {  	[tilespmem:s20+$0x5120] =	vst v2  }
0x25: {  	s20 =	sshrl.u32 s21, $0x1  }
0x26: {  	s20 =	sand.u32 $0x7F80, s20  }
0x27: {  	[tilespmem:s20+$0x5160] =	vst v2  }
.Ltmp3:
0x28: {  	[tilespmem:s20+$0x5140] =	vst v2;
	(pc) =	sbr.rel .LBB2_4-.Ltmp3, $4  }
0x29: {  	[tilespmem:s20+$0x5100] =	vst v2  }
0x2a: {  	[tilespmem:s20+$0x5120] =	vst v2  }
0x2b: {  	[bflag:$0x0] =	sbarrier.arrive $0xFFFF  }
0x2c: {  	s19 =	simm.s32 $0x0;
	s20 =	simm.s32 $0x0  }
.LBB2_18:
0x2d: {  	s20 =	sadd.s32 $0x1, s20  }
0x2e: {  	p1 =	sne.s32 s20, $0x50  }
.Ltmp4:
0x2f: {  	_ = 	snop;
	(pc) =	sbr.rel @!p1 .LBB2_19-.Ltmp4, $1  }
0x30: {  	_ =	sdelay $0x3  }
.LBB2_4:
0x31: {  	s21 =	smul.u32 $0x1F4, s20;
	_ =	sdelay $0x1  }
0x32: {  	s21 =	sadd.s32 s4, s21  }
0x33: {  	[tilespmem:s19], [sflag:$0x2] =	stream.linear.gather [hbm4b:s21+s19], $0xFA0, $0x38;
	[tilespmem:$0x13D40] =	vst v63  }
0x34: {  	_ =	swait.ge [sflag:s12], $0xFA0  }
0x35: {  	[sflag:s12] =	ssyncset.done $0x0  }
0x36: {  	v5 =	vimm.s32 $0x0;
	s22 =	simm.s32 $0x0;
	v4 =	vimm.s32 $0x0;
	s21 =	simm.s32 $0x40;
	[sflag:s12] =	ssyncadd.s32 $0xFFFFF060  }
.LBB2_5:
0x37: {  	p1 =	sne.s32 s21, $0x3E40;
	v6 =	vld [tilespmem:s22+$0x0];
	_ =	sdelay $0x4  }
0x38: {  	v7 =	vand.u32 $0x3FFF, v6  }
0x39: {  	vm0 =	vge.u32 v7, v0;
	vm1 =	vlt.u32 v7, v1  }
0x3a: {  	vm0 =	vmand vm0, vm1  }
0x3b: {  	v8 =	vsel vm0, $0x1, v3;
	v9 =	vmpcnt.ones.xlane vm0  }
0x3c: {  	(xrf0) =	vadd.scan.msk.s32 $0xffff, v8  }
0x3d: {  	v5 =	vadd.s32 v5, v9;
	_ =	sdelay $0x4  }
0x3e: {  	v8, _, _ =	vpop (xrf0)  }
0x3f: {  	v8 =	vadd.s32 v8, v4;
	v4 =	vmov v5  }
0x40: {  	v8 =	vadd.s32 $0xFFFFFFFF, v8  }
.Ltmp5:
0x41: {  	(pc) =	sbr.rel @p1 .LBB2_5-.Ltmp5, $4  }
0x42: {  	v6 =	vshrl.u32 v6, $0x5  }
0x43: {  	v6 =	vand.u32 $0x7FFFE00, v6;
	v7 =	vsub.s32 v7, v0  }
0x44: {  	v6 =	vadd.s32 v6, v7  }
0x45: {  	s22 =	sshra.s32 s21, $0x2;
	s21 =	sadd.s32 $0x40, s21;
	[tilespmem:v8+s13+$0x0] =	vst.idx.msk vm0, v6  }
0x46: {  	v6 =	vld [tilespmem:s22+$0x0];
	_ =	sdelay $0x4  }
0x47: {  	v7 =	vand.u32 $0x3FFF, v6  }
0x48: {  	vm0 =	vge.u32 v7, v0;
	vm1 =	vlt.u32 v7, v1  }
0x49: {  	vm0 =	vmand vm0, vm1  }
0x4a: {  	v8 =	vmpcnt.ones.xlane vm0;
	_ =	sdelay $0x1  }
0x4b: {  	v5 =	vadd.s32 v5, v8  }
0x4c: {  	(v2sf) =	vpush v5, $0x0;
	_ =	sdelay $0x9  }
0x4d: {  	v5 =	vsel vm0, $0x1, v3  }
0x4e: {  	(xrf0) =	vadd.scan.msk.s32 $0xffff, v5;
	_ =	sdelay $0x3  }
0x4f: {  	s21 =	spop (v2sf)  }
0x50: {  	s30 =	sadd.s32 $0x3F, s21  }
0x51: {  	v5, _, _ =	vpop (xrf0);
	s23 =	sand.u32 $0x3F, s30  }
0x52: {  	v4 =	vadd.s32 v5, v4;
	s31 =	sshra.s32 s30, $0x1F;
	p2 =	slt.s32 s30, $0x1;
	p1 =	sne.s32 s23, $0x0  }
0x53: {  	v4 =	vadd.s32 $0xFFFFFFFF, v4;
	s23 =	sshrl.u32 s31, $0x1A;
	p1 =	por !p2, !p1  }
0x54: {  	s22 =	sadd.s32 s23, s30;
	s23 =	simm.s32 $0x1;
	p1 =	por !p1, !p1  }
0x55: {  	v5 =	vshrl.u32 v6, $0x5;
	s22 =	sshra.s32 s22, $0x6;
	s23 =	simm.s32 @!p1 $0x0  }
0x56: {  	v63 =	vsub.s32 v7, v0;
	v5 =	vand.u32 $0x7FFFE00, v5;
	s22 =	ssub.s32 s22, s23  }
0x57: {  	v5 =	vadd.s32 v5, v63;
	p1 =	slt.s32 s22, $0x1  }
.Ltmp6:
0x58: {  	[tilespmem:v4+s13+$0x0] =	vst.idx.msk vm0, v5;
	(pc) =	sbr.rel @p1 .LBB2_18-.Ltmp6, $4  }
0x59: {  	[tilespmem:s21+$0x1000] =	vst v3  }
0x5a: {  	[tilespmem:s21+$0x1010] =	vst v3  }
0x5b: {  	[tilespmem:s21+$0x1020] =	vst v3  }
0x5c: {  	[tilespmem:s21+$0x1030] =	vst v3  }
0x5d: {  	s25 =	sshll.u32 s22, $0x2  }
0x5e: {  	p2 =	sne.s32 s25, $0x1  }
.Ltmp7:
0x5f: {  	_ = 	snop;
	(pc) =	sbr.rel @!p2 .LBB2_8-.Ltmp7, $3  }
0x60: {  	_ =	sdelay $0x1  }
0x61: {  	s24 =	simm.s32 $0x1000  }
0x62: {  	s23 =	simm.s32 $0x2080;
	p1 =	por $0x0, $0x0;
	v4 =	vld [tilespmem:s24+$0x0];
	s25 =	sadd.s32 $0xFFFFFFFF, s25  }
0x63: {  	_ =	sdelay $0x2  }
0x64: {  	p2 =	sne.s32 s25, $0x1  }
.Ltmp8:
0x65: {  	v5 =	vshrl.u32 v4, $0x9;
	(pc) =	sbr.rel @!p2 .LBB2_10-.Ltmp8, $4  }
0x66: {  	v4 =	vand.u32 $0x1FF, v4;
	[tilespmem:s24+$0x0] =	vst v5  }
0x67: {  	s24 =	simm.s32 $0x1010;
	[tilespmem:s23+$0x0] =	vst v4  }
0x68: {  	v4 =	vld [tilespmem:s24+$0x0]  }
0x69: {  	s26 =	sadd.s32 $0xFFFFFFFF, s25;
	p1 =	por $0x1, $0x1;
	s25 =	simm.s32 $0x2080  }
.LBB2_11:
0x6a: {  	p2 =	sne.s32 s26, $0x1;
	_ =	sdelay $0x2  }
.Ltmp9:
0x6b: {  	v5 =	vshrl.u32 v4, $0x9;
	v4 =	vand.u32 $0x1FF, v4;
	(pc) =	sbr.rel @p2 .LBB2_11-.Ltmp9, $4  }
0x6c: {  	s25 =	sadd.s32 $0x10, s25;
	[tilespmem:s24+$0x0] =	vst v5  }
0x6d: {  	s24 =	sadd.s32 $0x10, s24;
	[tilespmem:s25+$0x0] =	vst v4  }
0x6e: {  	v4 =	vld [tilespmem:s24+$0x0]  }
0x6f: {  	s26 =	sadd.s32 $0xFFFFFFFF, s26  }
.LBB2_12:
0x70: {  	_ = 	snop  }
.Ltmp10:
0x71: {  	_ = 	snop;
	(pc) =	sbr.rel .LBB2_13-.Ltmp10, $4  }
0x72: {  	_ = 	snop  }
0x73: {  	s25 =	sadd.s32 @p1 $0x10, s25;
	s26 =	simm.s32 $0x2080;
	v5 =	vshrl.u32 v4, $0x9  }
0x74: {  	s26 =	smov.u32 @p1 s25;
	v4 =	vand.u32 $0x1FF, v4;
	[tilespmem:s24+$0x0] =	vst v5  }
0x75: {  	s25 =	smov.u32 s21;
	s24 =	simm.s32 $0x0;
	[tilespmem:s26+$0x0] =	vst v4  }
.LBB2_16:
0x76: {  	[tilespmem:s30+$0x5160] =	vst v4  }
.LBB2_17:
0x77: {  	s24 =	sadd.s32 $0x1, s24  }
0x78: {  	p1 =	sne.s32 s24, s22  }
.Ltmp11:
0x79: {  	_ = 	snop;
	(pc) =	sbr.rel @!p1 .LBB2_18-.Ltmp11, $2  }
0x7a: {  	_ =	sdelay $0x2  }
0x7b: {  	s25 =	sadd.s32 $0xFFFFFFC0, s25;
	s23 =	sadd.s32 $0x40, s23  }
.LBB2_13:
0x7c: {  	s26 =	sshll.u32 s24, $0x6  }
0x7d: {  	s28 =	sadd.s32 $0x1000, s26;
	s26 =	ssub.s32 s21, s26  }
0x7e: {  	p1 =	slt.s32 s26, $0x1  }
.Ltmp12:
0x7f: {  	_ = 	snop;
	(pc) =	sbr.rel @p1 .LBB2_17-.Ltmp12, $4  }
0x80: {  	[tilespmem:s16], [sflag:$0x1] =	stream.indirect.gather [spmem:s2], $0x40, s28, s15, $0xb8;
	[tilespmem:$0x13D40] =	vst v63  }
0x81: {  	_ =	swait.ge [sflag:s14], $0x1000  }
0x82: {  	[sflag:s14] =	ssyncset.done $0x0  }
0x83: {  	[sflag:s14] =	ssyncadd.s32 $0xFFFFF000  }
0x84: {  	v4 =	vld [tilespmem:s23+$0x0];
	_ =	sdelay $0x4  }
0x85: {  	(v2sf) =	vpush v4, $0x0;
	_ =	sdelay $0xe  }
0x86: {  	s26 =	spop (v2sf)  }
0x87: {  	s28 =	sshll.u32 s26, $0x7  }
0x88: {  	s26 =	simm.s32 $0x3120;
	s28 =	sshra.s32 s28, $0x1  }
0x89: {  	v4 =	vld [tilespmem:s26+$0xFFFFFFE0];
	s30 =	sand.u32 $0xFFFFFF80, s28  }
0x8a: {  	v5 =	vld [tilespmem:s30+$0x5100];
	_ =	sdelay $0x4  }
0x8b: {  	v4 =	vmax.bf16 v5, v4  }
0x8c: {  	[tilespmem:s30+$0x5100] =	vst v4;
	v4 =	vld [tilespmem:s30+$0x5120]  }
0x8d: {  	v5 =	vld [tilespmem:s26+$0xFFFFFFF0];
	_ =	sdelay $0x4  }
0x8e: {  	v4 =	vmax.bf16 v4, v5  }
0x8f: {  	[tilespmem:s30+$0x5120] =	vst v4;
	v4 =	vld [tilespmem:s30+$0x5140]  }
0x90: {  	v5 =	vld [tilespmem:s26+$0x0];
	_ =	sdelay $0x3  }
0x91: {  	p1 =	sgt.s32 s25, $0x1;
	s28 =	smov.u32 s25  }
0x92: {  	s28 =	simm.s32 @!p1 $0x1;
	v4 =	vmax.bf16 v4, v5  }
0x93: {  	s28 =	smin.u32 s28, $0x40;
	[tilespmem:s30+$0x5140] =	vst v4;
	v4 =	vld [tilespmem:s30+$0x5160]  }
0x94: {  	p1 =	sne.s32 s28, $0x1;
	v5 =	vld [tilespmem:s26+$0x10]  }
.Ltmp13:
0x95: {  	_ = 	snop;
	(pc) =	sbr.rel @!p1 .LBB2_16-.Ltmp13, $2  }
0x96: {  	_ =	sdelay $0x2  }
0x97: {  	s29 =	smov.u32 s23;
	s28 =	sadd.s32 $0xFFFFFFFF, s28;
	v4 =	vmax.bf16 v4, v5  }
.LBB2_15:
0x98: {  	p1 =	sne.s32 s28, $0x1;
	[tilespmem:s30+$0x5160] =	vst v4;
	s29 =	sadd.s32 $0x1, s29;
	s26 =	sadd.s32 $0x80, s26  }
0x99: {  	s28 =	sadd.s32 $0xFFFFFFFF, s28;
	v4 =	vld [tilespmem:s29+$0x0];
	_ =	sdelay $0x4  }
0x9a: {  	(v2sf) =	vpush v4, $0x0;
	_ =	sdelay $0xe  }
0x9b: {  	s30 =	spop (v2sf)  }
0x9c: {  	s30 =	sshll.u32 s30, $0x7  }
0x9d: {  	s30 =	sshra.s32 s30, $0x1  }
0x9e: {  	v4 =	vld [tilespmem:s26+$0xFFFFFFE0];
	s30 =	sand.u32 $0xFFFFFF80, s30  }
0x9f: {  	v5 =	vld [tilespmem:s30+$0x5100];
	_ =	sdelay $0x4  }
0xa0: {  	v4 =	vmax.bf16 v5, v4  }
0xa1: {  	[tilespmem:s30+$0x5100] =	vst v4;
	v4 =	vld [tilespmem:s30+$0x5120]  }
0xa2: {  	v5 =	vld [tilespmem:s26+$0xFFFFFFF0];
	_ =	sdelay $0x4  }
0xa3: {  	v4 =	vmax.bf16 v4, v5  }
0xa4: {  	[tilespmem:s30+$0x5120] =	vst v4;
	v4 =	vld [tilespmem:s30+$0x5140]  }
0xa5: {  	v5 =	vld [tilespmem:s26+$0x0];
	_ =	sdelay $0x4  }
0xa6: {  	v4 =	vmax.bf16 v4, v5  }
0xa7: {  	[tilespmem:s30+$0x5140] =	vst v4;
	v4 =	vld [tilespmem:s30+$0x5160]  }
0xa8: {  	v5 =	vld [tilespmem:s26+$0x10]  }
.Ltmp14:
0xa9: {  	(pc) =	sbr.rel @p1 .LBB2_15-.Ltmp14, $2  }
0xaa: {  	_ =	sdelay $0x2  }
0xab: {  	v4 =	vmax.bf16 v4, v5  }
.Ltmp15:
0xac: {  	_ = 	snop;
	(pc) =	sbr.rel .LBB2_16-.Ltmp15, $1  }
0xad: {  	_ =	sdelay $0x3  }
.LBB2_8:
.Ltmp16:
0xae: {  	(pc) =	sbr.rel .LBB2_12-.Ltmp16, $2  }
0xaf: {  	_ =	sdelay $0x2  }
0xb0: {  	s25 =	simm.s32 $0x2080  }
.LBB2_10:
.Ltmp17:
0xb1: {  	(pc) =	sbr.rel .LBB2_12-.Ltmp17, $2  }
0xb2: {  	_ =	sdelay $0x2  }
0xb3: {  	s25 =	simm.s32 $0x2080  }
.LBB2_20:
0xb4: {  	_ =	sfence.sel $0x180000  }
0xb5: {  	[bflag:$0x0] =	sbarrier.arrive $0xFFFF  }
0xb6: {  	p0 =	sne.s32 s1, $0x0;
	_ =	strace $0x90000047  }
0xb7: {  	s0 =	sadd.s32 @!p0 $0x100000, s0;
	[bflag:$0x2] =	sbarrier.arrive $0xFFFF  }
0xb8: {  	[sflag:s0] =	ssyncadd.tile.s32 @!p0 $0x1;
	_ =	shalt  }
.Lfunc_end2:
_tile_overlayer_lowered:
.L_overlay_start_2:
0xb9: {  	(tag) =	ssettag $0x2  }
0xba: {  	s0 =	rddreg [dreg:$0x0];
	s2 =	stileid.u32  }
0xbb: {  	s1 =	rddreg [dreg:$0x1];
	p0 =	sne.s32 s2, $0x0  }
0xbc: {  	s3 =	rddreg [dreg:$0x2];
	[bflag:$0x3] =	sbarrier.arrive $0xFFFF;
	s2 =	simm.s32 @!p0 $0x1C02  }
0xbd: {  	[timem:s3], [sflag:s2] =	dma.local @!p0 [hbm:s0], s1  }
0xbe: {  	s0 =	simm.s32 @!p0 $0x2  }
0xbf: {  	_ =	swait.ge @!p0 [sflag:s0], s1  }
0xc0: {  	s1 =	ssub.s32 @!p0 $0x0, s1;
	[sflag:s0] =	ssyncset.done @!p0 $0x0  }
0xc1: {  	[sflag:s0] =	ssyncadd.s32 @!p0 s1  }
0xc2: {  	[bflag:$0x3] =	sbarrier.arrive $0xFFFF  }
0xc3: {  	_ =	shalt  }

</sc_bundles>
